<compile_context>
chip_gen: v7x
topology: tpu7x:2x2x1
jax: 0.10.2.dev20260603
libtpu: 0.0.44.dev20260713+nightly
codegen_flags: <defaults>
</compile_context>

<pallas_src>
import functools

import jax
import jax.numpy as jnp
from jax import lax
from jax.experimental import pallas as pl
from jax.experimental.pallas import tpu as pltpu
from jax.experimental.pallas import tpu_sc as plsc

N = 10000
E = 320000
D = 128
NC = 2
NS = 16
NW = NC * NS
BATCH = 128
NB = 79
EPT = NB * BATCH
NB0 = 105
NB1 = 53
E_PAD = NW * EPT
N_PAD = 10240
RPT = N_PAD // NS

_mesh = plsc.VectorSubcoreMesh(core_axis_name="c", subcore_axis_name="s")


def _hist_body(dst_hbm, deg_out, idx_v, hist_v):
    c = lax.axis_index("c")
    s = lax.axis_index("s")
    w = c * NS + s
    pltpu.sync_copy(dst_hbm.at[w], idx_v)
    zero16 = jnp.zeros((16,), jnp.float32)

    @pl.loop(0, N_PAD // 16, unroll=8)
    def _zero(i):
        hist_v[0, pl.ds(i * 16, 16)] = zero16

    ones = jnp.ones((16,), jnp.float32)
    zidx = jnp.zeros((16,), jnp.int32)

    @pl.loop(0, NB)
    def _batch(b):
        @pl.loop(0, BATCH // 16)
        def _chunk(j):
            idx = idx_v[b, pl.ds(j * 16, 16)]
            plsc.addupdate_scatter(hist_v, [zidx, idx], ones)

    pltpu.sync_copy(hist_v, deg_out.at[w])


_sc_params = pltpu.CompilerParams(needs_layout_passes=False)

_hist = pl.kernel(
    _hist_body,
    out_type=jax.ShapeDtypeStruct((NW, 1, N_PAD), jnp.float32),
    mesh=_mesh,
    compiler_params=_sc_params,
    scratch_types=[
        pltpu.VMEM((NB, BATCH), jnp.int32),
        pltpu.VMEM((1, N_PAD), jnp.float32),
    ],
)


def _prop_body(y_hbm, srcA_hbm, dstA_hbm, srcB_hbm, dstB_hbm, parts_out,
               src_v, dst_v, rows_v, accum, sem):
    c = lax.axis_index("c")
    s = lax.axis_index("s")

    zero16 = jnp.zeros((16,), jnp.float32)

    @pl.loop(0, BATCH)
    def _zrow(r):
        @pl.loop(0, D // 16, unroll=8)
        def _zcol(j):
            rows_v[r, pl.ds(j * 16, 16)] = zero16

    @pl.loop(0, RPT // BATCH)
    def _zchunk(k):
        pltpu.sync_copy(
            rows_v, accum.at[pl.ds(s * RPT + k * BATCH, BATCH), :])

    plsc.subcore_barrier()

    @pl.when(c == 0)
    def _sc0():
        pltpu.sync_copy(srcA_hbm.at[s], src_v)
        pltpu.sync_copy(dstA_hbm.at[s], dst_v)

        @pl.loop(0, NB0)
        def _batch(b):
            pltpu.async_copy(y_hbm.at[src_v.at[b]], rows_v, sem).wait()
            pltpu.sync_copy(rows_v, accum.at[dst_v.at[b]], add=True)

    @pl.when(c == 1)
    def _sc1():
        pltpu.sync_copy(srcB_hbm.at[s], src_v.at[pl.ds(0, NB1), :])
        pltpu.sync_copy(dstB_hbm.at[s], dst_v.at[pl.ds(0, NB1), :])

        @pl.loop(0, NB1)
        def _batch(b):
            pltpu.async_copy(y_hbm.at[src_v.at[b]], rows_v, sem).wait()
            pltpu.sync_copy(rows_v, accum.at[dst_v.at[b]], add=True)

    plsc.subcore_barrier()

    @pl.loop(0, RPT // BATCH)
    def _read(k):
        pltpu.sync_copy(
            accum.at[pl.ds(s * RPT + k * BATCH, BATCH), :], rows_v)
        pltpu.sync_copy(
            rows_v, parts_out.at[c, pl.ds(s * RPT + k * BATCH, BATCH), :])


_prop = pl.kernel(
    _prop_body,
    out_type=jax.ShapeDtypeStruct((NC, N_PAD, D), jnp.float32),
    mesh=_mesh,
    compiler_params=_sc_params,
    scratch_types=[
        pltpu.VMEM((NB0, BATCH), jnp.int32),
        pltpu.VMEM((NB0, BATCH), jnp.int32),
        pltpu.VMEM((BATCH, D), jnp.float32),
        pltpu.VMEM_SHARED((N_PAD, D), jnp.float32),
        pltpu.SemaphoreType.DMA,
    ],
)


BR = 1000


def _scale_body(degT_ref, x_ref, y_ref):
    deg = jnp.sum(degT_ref[...], axis=1, keepdims=True) + 1.0
    y_ref[...] = x_ref[...] * lax.rsqrt(deg)


def _scale(degT, x):
    grid = N // BR
    return pl.pallas_call(
        _scale_body,
        grid=(grid,),
        in_specs=[
            pl.BlockSpec((BR, NW), lambda i: (i, 0)),
            pl.BlockSpec((BR, D), lambda i: (i, 0)),
        ],
        out_specs=pl.BlockSpec((BR, D), lambda i: (i, 0)),
        out_shape=jax.ShapeDtypeStruct((N, D), jnp.float32),
    )(degT, x)


def _cell_body(degT_ref, parts_ref, v_ref, wc0_ref, bc0_ref, wl0_ref,
               bl0_ref, wc2_ref, bc2_ref, wl2_ref, bl2_ref, *out_refs,
               relu_out, emit_y):
    deg = jnp.sum(degT_ref[...], axis=1, keepdims=True) + 1.0
    dinv = lax.rsqrt(deg)
    v = v_ref[...]
    px = dinv * (parts_ref[0] + parts_ref[1]) + v / deg
    t = jnp.dot(px, wc0_ref[...], preferred_element_type=jnp.float32)
    t = t + bc0_ref[...]
    z = jax.nn.sigmoid(
        jnp.dot(t, wl0_ref[...], preferred_element_type=jnp.float32)
        + bl0_ref[...])
    u = jnp.dot(px, wc2_ref[...], preferred_element_type=jnp.float32)
    u = u + bc2_ref[...]
    ht = jnp.tanh(
        jnp.dot(u, wl2_ref[...], preferred_element_type=jnp.float32)
        + bl2_ref[...])
    h = (1.0 - z) * ht
    if relu_out:
        h = jnp.maximum(h, 0.0)
    out_refs[0][...] = h
    if emit_y:
        out_refs[1][...] = h * dinv


def _cell(degT, parts, v, Wc, bc, Wl, bl, relu_out, emit_y):
    grid = N // BR
    row = lambda i: (i, 0)
    row3 = lambda i: (0, i, 0)
    full = lambda i: (0, 0)
    out_shape = [jax.ShapeDtypeStruct((N, D), jnp.float32)]
    out_specs = [pl.BlockSpec((BR, D), row)]
    if emit_y:
        out_shape.append(jax.ShapeDtypeStruct((N, D), jnp.float32))
        out_specs.append(pl.BlockSpec((BR, D), row))
    body = functools.partial(_cell_body, relu_out=relu_out, emit_y=emit_y)
    return pl.pallas_call(
        body,
        grid=(grid,),
        in_specs=[
            pl.BlockSpec((BR, NW), row),
            pl.BlockSpec((NC, BR, D), row3),
            pl.BlockSpec((BR, D), row),
            pl.BlockSpec((D, D), full),
            pl.BlockSpec((1, D), full),
            pl.BlockSpec((D, D), full),
            pl.BlockSpec((1, D), full),
            pl.BlockSpec((D, D), full),
            pl.BlockSpec((1, D), full),
            pl.BlockSpec((D, D), full),
            pl.BlockSpec((1, D), full),
        ],
        out_specs=out_specs,
        out_shape=out_shape,
    )(degT, parts, v,
      Wc[0], bc[0].reshape(1, D), Wl[0][:D], bl[0].reshape(1, D),
      Wc[2], bc[2].reshape(1, D), Wl[2][:D], bl[2].reshape(1, D))


def kernel(x, edge_index, Wc1, bc1, Wl1, bl1, Wc2, bc2, Wl2, bl2):
    src = edge_index[0]
    dst = edge_index[1]
    pad = E_PAD - E
    src3 = jnp.concatenate(
        [src, jnp.zeros((pad,), jnp.int32)]).reshape(NW, NB, BATCH)
    dst3 = jnp.concatenate(
        [dst, jnp.full((pad,), N, jnp.int32)]).reshape(NW, NB, BATCH)
    na = NS * NB0 * BATCH
    ntot = na + NS * NB1 * BATCH
    padg = ntot - E
    srcp = jnp.concatenate([src, jnp.zeros((padg,), jnp.int32)])
    dstp = jnp.concatenate([dst, jnp.full((padg,), N, jnp.int32)])
    srcA = srcp[:na].reshape(NS, NB0, BATCH)
    dstA = dstp[:na].reshape(NS, NB0, BATCH)
    srcB = srcp[na:].reshape(NS, NB1, BATCH)
    dstB = dstp[na:].reshape(NS, NB1, BATCH)

    deg_parts = _hist(dst3).reshape(NW, N_PAD)
    degT = jnp.transpose(deg_parts)[:N]

    y1 = _scale(degT, x)
    parts1 = _prop(y1, srcA, dstA, srcB, dstB)
    h1, y2 = _cell(degT, parts1, x, Wc1, bc1, Wl1, bl1,
                   relu_out=True, emit_y=True)
    parts2 = _prop(y2, srcA, dstA, srcB, dstB)
    (h2,) = _cell(degT, parts2, h1, Wc2, bc2, Wl2, bl2,
                  relu_out=False, emit_y=False)
    return h2

# --- scband reference (transcript-rebuilt; emitter-appended) ---
"""Pipeline reference for scband-t-gcn-80719615361182 (READ-ONLY COPY).

The authoritative reference and input builder live on the scoring server;
editing this copy changes nothing except your own understanding.
"""

import jax, jax.numpy as jnp
import numpy as np

N = 10000
E = 320000
D_IN = 128
D_H = 128


def _glorot(k, shape):
    lim = jnp.sqrt(6.0 / (shape[-2] + shape[-1]))
    return jax.random.uniform(k, shape, jnp.float32, -lim, lim)


def setup_inputs(seed: int = 0):
    key = jax.random.key(seed)
    ks = jax.random.split(key, 8)
    x = jax.random.normal(ks[0], (N, D_IN), dtype=jnp.float32)
    edge_index = jax.random.randint(ks[1], (2, E), 0, N, dtype=jnp.int32)
    # TGCN layer 1: 3 gates (z, r, h); each gate has a GCNConv (Wc, bc) and a Linear on cat([conv_out, H]) (Wl, bl)
    Wc1 = _glorot(ks[2], (3, D_IN, D_H))
    bc1 = jnp.zeros((3, D_H), jnp.float32)
    Wl1 = _glorot(ks[3], (3, 2 * D_H, D_H))
    bl1 = jnp.zeros((3, D_H), jnp.float32)
    # TGCN layer 2
    Wc2 = _glorot(ks[4], (3, D_H, D_H))
    bc2 = jnp.zeros((3, D_H), jnp.float32)
    Wl2 = _glorot(ks[5], (3, 2 * D_H, D_H))
    bl2 = jnp.zeros((3, D_H), jnp.float32)
    return {"x": x, "edge_index": edge_index,
            "Wc1": Wc1, "bc1": bc1, "Wl1": Wl1, "bl1": bl1,
            "Wc2": Wc2, "bc2": bc2, "Wl2": Wl2, "bl2": bl2}


def _gcn_conv(x, W, b, src, dst):
    # GCNConv with add_self_loops=True and symmetric D^-1/2 (A+I) D^-1/2 normalization
    n = x.shape[0]
    h = x @ W
    loop = jnp.arange(n, dtype=src.dtype)
    s = jnp.concatenate([src, loop])
    d = jnp.concatenate([dst, loop])
    deg = jnp.zeros((n,), jnp.float32).at[d].add(1.0)
    dinv = jnp.where(deg > 0, deg ** -0.5, 0.0)
    norm = dinv[s] * dinv[d]
    msg = h[s] * norm[:, None]
    out = jnp.zeros_like(h).at[d].add(msg)
    return out + b


def _tgcn_cell(x, H, Wc, bc, Wl, bl, src, dst):
    # GRU-style graph conv cell (torch_geometric_temporal TGCN)
    cz = _gcn_conv(x, Wc[0], bc[0], src, dst)
    Z = jax.nn.sigmoid(jnp.concatenate([cz, H], axis=1) @ Wl[0] + bl[0])
    cr = _gcn_conv(x, Wc[1], bc[1], src, dst)
    R = jax.nn.sigmoid(jnp.concatenate([cr, H], axis=1) @ Wl[1] + bl[1])
    ch = _gcn_conv(x, Wc[2], bc[2], src, dst)
    Ht = jnp.tanh(jnp.concatenate([ch, H * R], axis=1) @ Wl[2] + bl[2])
    return Z * H + (1.0 - Z) * Ht


def reference(x, edge_index, Wc1, bc1, Wl1, bl1, Wc2, bc2, Wl2, bl2):
    src, dst = edge_index[0], edge_index[1]
    H0 = jnp.zeros((x.shape[0], D_H), jnp.float32)
    h = _tgcn_cell(x, H0, Wc1, bc1, Wl1, bl1, src, dst)
    h = jax.nn.relu(h)
    h = _tgcn_cell(h, H0, Wc2, bc2, Wl2, bl2, src, dst)
    return h

if __name__ == "__main__":
    import jax
    _d = setup_inputs()
    print(jax.jit(kernel)(*tuple(_d.values())))

</pallas_src>

<mosaic_0001>
#map = affine_map<(d0, d1) -> (0, 0)>
#map1 = affine_map<(d0, d1) -> (0, 0, 0)>
module attributes {stable_mosaic.version = 14 : i64} {
  func.func @_prop_body(%arg0: i32, %arg1: i32, %arg2: memref<10000x128xf32, #tpu.memory_space<hbm>>, %arg3: memref<16x105x128xi32, #tpu.memory_space<hbm>>, %arg4: memref<16x105x128xi32, #tpu.memory_space<hbm>>, %arg5: memref<16x53x128xi32, #tpu.memory_space<hbm>>, %arg6: memref<16x53x128xi32, #tpu.memory_space<hbm>>, %arg7: memref<2x10240x128xf32, #tpu.memory_space<hbm>>, %arg8: memref<105x128xi32, #tpu.memory_space<vmem>>, %arg9: memref<105x128xi32, #tpu.memory_space<vmem>>, %arg10: memref<128x128xf32, #tpu.memory_space<vmem>>, %arg11: memref<10240x128xf32, #tpu.memory_space<vmem_shared>>, %arg12: memref<!tpu.dma_semaphore, #tpu.memory_space<semaphore_mem>>) attributes {dimension_semantics = [#tpu.dimension_semantics<core_parallel>, #tpu.dimension_semantics<subcore_parallel>], iteration_bounds = array<i64: 2, 16>, scalar_prefetch = 0 : i64, scratch_operands = 5 : i64, tpu.core_type = #tpu.core_type<sc_vector_subcore>, window_params = [{transform_indices = #map}, {transform_indices = #map1}, {transform_indices = #map1}, {transform_indices = #map1}, {transform_indices = #map1}, {transform_indices = #map1}]} {
    %broadcast_in_dim3A = arith.constant 0.000000e+00 : f32
    %broadcast_in_dim3A_0 = vector.broadcast %broadcast_in_dim3A : f32 to vector<16xf32>
    %scan3A = arith.constant 0 : i32
    %scan3A_1 = arith.constant 128 : i32
    %scan3A_2 = arith.addi %scan3A, %scan3A_1 : i32
    %scan3A_3 = arith.constant 1 : i32
    scf.for %scan3A_23 = %scan3A to %scan3A_2 step %scan3A_3  : i32 {
      %mul3A = arith.constant 1 : i32
      %mul3A_24 = arith.muli %scan3A_23, %mul3A : i32
      %add3A = arith.constant 0 : i32
      %add3A_25 = arith.addi %add3A, %mul3A_24 : i32
      %scan3A_26 = arith.constant 0 : i32
      %mul3A_27 = arith.constant 1 : i32
      %mul3A_28 = arith.muli %scan3A_26, %mul3A_27 : i32
      %add3A_29 = arith.constant 0 : i32
      %add3A_30 = arith.addi %add3A_29, %mul3A_28 : i32
      %mul3A_31 = arith.constant 16 : i32
      %mul3A_32 = arith.muli %add3A_30, %mul3A_31 : i32
      %swap3A = arith.index_cast %add3A_25 : i32 to index
      %swap3A_33 = arith.index_cast %mul3A_32 : i32 to index
      %swap3A_34 = tpu.vector_load %arg10[%swap3A, %swap3A_33] {strides = array<i32>} : memref<128x128xf32, #tpu.memory_space<vmem>>, vector<16xf32>,
      tpu.vector_store %arg10[%swap3A, %swap3A_33], %broadcast_in_dim3A_0 {strides = array<i32>} : memref<128x128xf32, #tpu.memory_space<vmem>>, vector<16xf32>,
      %scan3A_35 = arith.constant 1 : i32
      %mul3A_36 = arith.constant 1 : i32
      %mul3A_37 = arith.muli %scan3A_35, %mul3A_36 : i32
      %add3A_38 = arith.constant 0 : i32
      %add3A_39 = arith.addi %add3A_38, %mul3A_37 : i32
      %mul3A_40 = arith.constant 16 : i32
      %mul3A_41 = arith.muli %add3A_39, %mul3A_40 : i32
      %swap3A_42 = arith.index_cast %add3A_25 : i32 to index
      %swap3A_43 = arith.index_cast %mul3A_41 : i32 to index
      %swap3A_44 = tpu.vector_load %arg10[%swap3A_42, %swap3A_43] {strides = array<i32>} : memref<128x128xf32, #tpu.memory_space<vmem>>, vector<16xf32>,
      tpu.vector_store %arg10[%swap3A_42, %swap3A_43], %broadcast_in_dim3A_0 {strides = array<i32>} : memref<128x128xf32, #tpu.memory_space<vmem>>, vector<16xf32>,
      %scan3A_45 = arith.constant 2 : i32
      %mul3A_46 = arith.constant 1 : i32
      %mul3A_47 = arith.muli %scan3A_45, %mul3A_46 : i32
      %add3A_48 = arith.constant 0 : i32
      %add3A_49 = arith.addi %add3A_48, %mul3A_47 : i32
      %mul3A_50 = arith.constant 16 : i32
      %mul3A_51 = arith.muli %add3A_49, %mul3A_50 : i32
      %swap3A_52 = arith.index_cast %add3A_25 : i32 to index
      %swap3A_53 = arith.index_cast %mul3A_51 : i32 to index
      %swap3A_54 = tpu.vector_load %arg10[%swap3A_52, %swap3A_53] {strides = array<i32>} : memref<128x128xf32, #tpu.memory_space<vmem>>, vector<16xf32>,
      tpu.vector_store %arg10[%swap3A_52, %swap3A_53], %broadcast_in_dim3A_0 {strides = array<i32>} : memref<128x128xf32, #tpu.memory_space<vmem>>, vector<16xf32>,
      %scan3A_55 = arith.constant 3 : i32
      %mul3A_56 = arith.constant 1 : i32
      %mul3A_57 = arith.muli %scan3A_55, %mul3A_56 : i32
      %add3A_58 = arith.constant 0 : i32
      %add3A_59 = arith.addi %add3A_58, %mul3A_57 : i32
      %mul3A_60 = arith.constant 16 : i32
      %mul3A_61 = arith.muli %add3A_59, %mul3A_60 : i32
      %swap3A_62 = arith.index_cast %add3A_25 : i32 to index
      %swap3A_63 = arith.index_cast %mul3A_61 : i32 to index
      %swap3A_64 = tpu.vector_load %arg10[%swap3A_62, %swap3A_63] {strides = array<i32>} : memref<128x128xf32, #tpu.memory_space<vmem>>, vector<16xf32>,
      tpu.vector_store %arg10[%swap3A_62, %swap3A_63], %broadcast_in_dim3A_0 {strides = array<i32>} : memref<128x128xf32, #tpu.memory_space<vmem>>, vector<16xf32>,
      %scan3A_65 = arith.constant 4 : i32
      %mul3A_66 = arith.constant 1 : i32
      %mul3A_67 = arith.muli %scan3A_65, %mul3A_66 : i32
      %add3A_68 = arith.constant 0 : i32
      %add3A_69 = arith.addi %add3A_68, %mul3A_67 : i32
      %mul3A_70 = arith.constant 16 : i32
      %mul3A_71 = arith.muli %add3A_69, %mul3A_70 : i32
      %swap3A_72 = arith.index_cast %add3A_25 : i32 to index
      %swap3A_73 = arith.index_cast %mul3A_71 : i32 to index
      %swap3A_74 = tpu.vector_load %arg10[%swap3A_72, %swap3A_73] {strides = array<i32>} : memref<128x128xf32, #tpu.memory_space<vmem>>, vector<16xf32>,
      tpu.vector_store %arg10[%swap3A_72, %swap3A_73], %broadcast_in_dim3A_0 {strides = array<i32>} : memref<128x128xf32, #tpu.memory_space<vmem>>, vector<16xf32>,
      %scan3A_75 = arith.constant 5 : i32
      %mul3A_76 = arith.constant 1 : i32
      %mul3A_77 = arith.muli %scan3A_75, %mul3A_76 : i32
      %add3A_78 = arith.constant 0 : i32
      %add3A_79 = arith.addi %add3A_78, %mul3A_77 : i32
      %mul3A_80 = arith.constant 16 : i32
      %mul3A_81 = arith.muli %add3A_79, %mul3A_80 : i32
      %swap3A_82 = arith.index_cast %add3A_25 : i32 to index
      %swap3A_83 = arith.index_cast %mul3A_81 : i32 to index
      %swap3A_84 = tpu.vector_load %arg10[%swap3A_82, %swap3A_83] {strides = array<i32>} : memref<128x128xf32, #tpu.memory_space<vmem>>, vector<16xf32>,
      tpu.vector_store %arg10[%swap3A_82, %swap3A_83], %broadcast_in_dim3A_0 {strides = array<i32>} : memref<128x128xf32, #tpu.memory_space<vmem>>, vector<16xf32>,
      %scan3A_85 = arith.constant 6 : i32
      %mul3A_86 = arith.constant 1 : i32
      %mul3A_87 = arith.muli %scan3A_85, %mul3A_86 : i32
      %add3A_88 = arith.constant 0 : i32
      %add3A_89 = arith.addi %add3A_88, %mul3A_87 : i32
      %mul3A_90 = arith.constant 16 : i32
      %mul3A_91 = arith.muli %add3A_89, %mul3A_90 : i32
      %swap3A_92 = arith.index_cast %add3A_25 : i32 to index
      %swap3A_93 = arith.index_cast %mul3A_91 : i32 to index
      %swap3A_94 = tpu.vector_load %arg10[%swap3A_92, %swap3A_93] {strides = array<i32>} : memref<128x128xf32, #tpu.memory_space<vmem>>, vector<16xf32>,
      tpu.vector_store %arg10[%swap3A_92, %swap3A_93], %broadcast_in_dim3A_0 {strides = array<i32>} : memref<128x128xf32, #tpu.memory_space<vmem>>, vector<16xf32>,
      %scan3A_95 = arith.constant 7 : i32
      %mul3A_96 = arith.constant 1 : i32
      %mul3A_97 = arith.muli %scan3A_95, %mul3A_96 : i32
      %add3A_98 = arith.constant 0 : i32
      %add3A_99 = arith.addi %add3A_98, %mul3A_97 : i32
      %mul3A_100 = arith.constant 16 : i32
      %mul3A_101 = arith.muli %add3A_99, %mul3A_100 : i32
      %swap3A_102 = arith.index_cast %add3A_25 : i32 to index
      %swap3A_103 = arith.index_cast %mul3A_101 : i32 to index
      %swap3A_104 = tpu.vector_load %arg10[%swap3A_102, %swap3A_103] {strides = array<i32>} : memref<128x128xf32, #tpu.memory_space<vmem>>, vector<16xf32>,
      tpu.vector_store %arg10[%swap3A_102, %swap3A_103], %broadcast_in_dim3A_0 {strides = array<i32>} : memref<128x128xf32, #tpu.memory_space<vmem>>, vector<16xf32>,
      %scan3A_105 = arith.constant 8 : i32
    }
    %scan3A_4 = arith.constant 128 : i32
    %scan3A_5 = arith.constant 0 : i32
    %scan3A_6 = arith.constant 5 : i32
    %scan3A_7 = arith.addi %scan3A_5, %scan3A_6 : i32
    %scan3A_8 = arith.constant 1 : i32
    scf.for %scan3A_23 = %scan3A_5 to %scan3A_7 step %scan3A_8  : i32 {
      %mul3A = arith.constant 1 : i32
      %mul3A_24 = arith.muli %scan3A_23, %mul3A : i32
      %add3A = arith.constant 0 : i32
      %add3A_25 = arith.addi %add3A, %mul3A_24 : i32
      %mul3A_26 = arith.constant 640 : i32
      %mul3A_27 = arith.muli %arg1, %mul3A_26 : i32
      %mul3A_28 = arith.constant 128 : i32
      %mul3A_29 = arith.muli %add3A_25, %mul3A_28 : i32
      %add3A_30 = arith.addi %mul3A_27, %mul3A_29 : i32
      "tpu.region"() ({
        %run_scoped3A = tpu.sem_alloc : memref<!tpu.dma_semaphore, #tpu.memory_space<semaphore_mem>>
        %dma_start3A = arith.constant 0 : i32
        %dma_start3A_31 = tpu.memref_slice %arg11[%add3A_30, %dma_start3A] : memref<10240x128xf32, #tpu.memory_space<vmem_shared>> -> memref<128x128xf32, #tpu.memory_space<vmem_shared>>
        %dma_start3A_32 = arith.constant 0 : i32
        %dma_start3A_33 = tpu.memref_slice %arg11[%add3A_30, %dma_start3A_32] : memref<10240x128xf32, #tpu.memory_space<vmem_shared>> -> memref<128x128xf32, #tpu.memory_space<vmem_shared>>
        tpu.enqueue_dma source(%arg10 : memref<128x128xf32, #tpu.memory_space<vmem>>) target(%dma_start3A_33 : memref<128x128xf32, #tpu.memory_space<vmem_shared>>) target_semaphore(%run_scoped3A : memref<!tpu.dma_semaphore, #tpu.memory_space<semaphore_mem>>)
        %dma_wait3A = arith.constant 0 : i32
        %dma_wait3A_34 = tpu.memref_slice %arg11[%add3A_30, %dma_wait3A] : memref<10240x128xf32, #tpu.memory_space<vmem_shared>> -> memref<128x128xf32, #tpu.memory_space<vmem_shared>>
        %dma_wait3A_35 = arith.constant 0 : i32
        %dma_wait3A_36 = tpu.memref_slice %arg11[%add3A_30, %dma_wait3A_35] : memref<10240x128xf32, #tpu.memory_space<vmem_shared>> -> memref<128x128xf32, #tpu.memory_space<vmem_shared>>
        tpu.wait_dma2 semaphore(%run_scoped3A : memref<!tpu.dma_semaphore, #tpu.memory_space<semaphore_mem>>) src(%arg10 : memref<128x128xf32, #tpu.memory_space<vmem>>) dst(%dma_wait3A_36 : memref<128x128xf32, #tpu.memory_space<vmem_shared>>)
        tpu.yield
      }) : () -> ()
    }
    %scan3A_9 = arith.constant 5 : i32
    %barrier3A = arith.constant 0 : index
    tpu.barrier barrier_id(%barrier3A)
    %eq3A = arith.constant 0 : i32
    %eq3A_10 = arith.cmpi eq, %arg0, %eq3A : i32
    %convert_element_type3A = arith.extui %eq3A_10 : i1 to i32
    %cond3A = arith.constant 0 : i32
    %cond3A_11 = arith.cmpi ne, %convert_element_type3A, %cond3A : i32
    scf.if %cond3A_11 {
      "tpu.region"() ({
        %run_scoped3A = tpu.sem_alloc : memref<!tpu.dma_semaphore, #tpu.memory_space<semaphore_mem>>
        %dma_start3A = arith.constant 0 : i32
        %dma_start3A_28 = arith.constant 0 : i32
        %dma_start3A_29 = tpu.memref_slice %arg3[%arg1, %dma_start3A, %dma_start3A_28] : memref<16x105x128xi32, #tpu.memory_space<hbm>> -> memref<1x105x128xi32, #tpu.memory_space<hbm>>
        %dma_start3A_30 = tpu.memref_squeeze %dma_start3A_29 : memref<1x105x128xi32, #tpu.memory_space<hbm>> -> memref<105x128xi32, #tpu.memory_space<hbm>>
        %dma_start3A_31 = arith.constant 0 : i32
        %dma_start3A_32 = arith.constant 0 : i32
        %dma_start3A_33 = tpu.memref_slice %arg3[%arg1, %dma_start3A_31, %dma_start3A_32] : memref<16x105x128xi32, #tpu.memory_space<hbm>> -> memref<1x105x128xi32, #tpu.memory_space<hbm>>
        %dma_start3A_34 = tpu.memref_squeeze %dma_start3A_33 : memref<1x105x128xi32, #tpu.memory_space<hbm>> -> memref<105x128xi32, #tpu.memory_space<hbm>>
        tpu.enqueue_dma source(%dma_start3A_34 : memref<105x128xi32, #tpu.memory_space<hbm>>) target(%arg8 : memref<105x128xi32, #tpu.memory_space<vmem>>) target_semaphore(%run_scoped3A : memref<!tpu.dma_semaphore, #tpu.memory_space<semaphore_mem>>)
        %dma_wait3A = arith.constant 0 : i32
        %dma_wait3A_35 = arith.constant 0 : i32
        %dma_wait3A_36 = tpu.memref_slice %arg3[%arg1, %dma_wait3A, %dma_wait3A_35] : memref<16x105x128xi32, #tpu.memory_space<hbm>> -> memref<1x105x128xi32, #tpu.memory_space<hbm>>
        %dma_wait3A_37 = tpu.memref_squeeze %dma_wait3A_36 : memref<1x105x128xi32, #tpu.memory_space<hbm>> -> memref<105x128xi32, #tpu.memory_space<hbm>>
        %dma_wait3A_38 = arith.constant 0 : i32
        %dma_wait3A_39 = arith.constant 0 : i32
        %dma_wait3A_40 = tpu.memref_slice %arg3[%arg1, %dma_wait3A_38, %dma_wait3A_39] : memref<16x105x128xi32, #tpu.memory_space<hbm>> -> memref<1x105x128xi32, #tpu.memory_space<hbm>>
        %dma_wait3A_41 = tpu.memref_squeeze %dma_wait3A_40 : memref<1x105x128xi32, #tpu.memory_space<hbm>> -> memref<105x128xi32, #tpu.memory_space<hbm>>
        tpu.wait_dma2 semaphore(%run_scoped3A : memref<!tpu.dma_semaphore, #tpu.memory_space<semaphore_mem>>) src(%dma_wait3A_41 : memref<105x128xi32, #tpu.memory_space<hbm>>) dst(%arg8 : memref<105x128xi32, #tpu.memory_space<vmem>>)
        tpu.yield
      }) : () -> ()
      "tpu.region"() ({
        %run_scoped3A = tpu.sem_alloc : memref<!tpu.dma_semaphore, #tpu.memory_space<semaphore_mem>>
        %dma_start3A = arith.constant 0 : i32
        %dma_start3A_28 = arith.constant 0 : i32
        %dma_start3A_29 = tpu.memref_slice %arg4[%arg1, %dma_start3A, %dma_start3A_28] : memref<16x105x128xi32, #tpu.memory_space<hbm>> -> memref<1x105x128xi32, #tpu.memory_space<hbm>>
        %dma_start3A_30 = tpu.memref_squeeze %dma_start3A_29 : memref<1x105x128xi32, #tpu.memory_space<hbm>> -> memref<105x128xi32, #tpu.memory_space<hbm>>
        %dma_start3A_31 = arith.constant 0 : i32
        %dma_start3A_32 = arith.constant 0 : i32
        %dma_start3A_33 = tpu.memref_slice %arg4[%arg1, %dma_start3A_31, %dma_start3A_32] : memref<16x105x128xi32, #tpu.memory_space<hbm>> -> memref<1x105x128xi32, #tpu.memory_space<hbm>>
        %dma_start3A_34 = tpu.memref_squeeze %dma_start3A_33 : memref<1x105x128xi32, #tpu.memory_space<hbm>> -> memref<105x128xi32, #tpu.memory_space<hbm>>
        tpu.enqueue_dma source(%dma_start3A_34 : memref<105x128xi32, #tpu.memory_space<hbm>>) target(%arg9 : memref<105x128xi32, #tpu.memory_space<vmem>>) target_semaphore(%run_scoped3A : memref<!tpu.dma_semaphore, #tpu.memory_space<semaphore_mem>>)
        %dma_wait3A = arith.constant 0 : i32
        %dma_wait3A_35 = arith.constant 0 : i32
        %dma_wait3A_36 = tpu.memref_slice %arg4[%arg1, %dma_wait3A, %dma_wait3A_35] : memref<16x105x128xi32, #tpu.memory_space<hbm>> -> memref<1x105x128xi32, #tpu.memory_space<hbm>>
        %dma_wait3A_37 = tpu.memref_squeeze %dma_wait3A_36 : memref<1x105x128xi32, #tpu.memory_space<hbm>> -> memref<105x128xi32, #tpu.memory_space<hbm>>
        %dma_wait3A_38 = arith.constant 0 : i32
        %dma_wait3A_39 = arith.constant 0 : i32
        %dma_wait3A_40 = tpu.memref_slice %arg4[%arg1, %dma_wait3A_38, %dma_wait3A_39] : memref<16x105x128xi32, #tpu.memory_space<hbm>> -> memref<1x105x128xi32, #tpu.memory_space<hbm>>
        %dma_wait3A_41 = tpu.memref_squeeze %dma_wait3A_40 : memref<1x105x128xi32, #tpu.memory_space<hbm>> -> memref<105x128xi32, #tpu.memory_space<hbm>>
        tpu.wait_dma2 semaphore(%run_scoped3A : memref<!tpu.dma_semaphore, #tpu.memory_space<semaphore_mem>>) src(%dma_wait3A_41 : memref<105x128xi32, #tpu.memory_space<hbm>>) dst(%arg9 : memref<105x128xi32, #tpu.memory_space<vmem>>)
        tpu.yield
      }) : () -> ()
      %scan3A_23 = arith.constant 0 : i32
      %scan3A_24 = arith.constant 105 : i32
      %scan3A_25 = arith.addi %scan3A_23, %scan3A_24 : i32
      %scan3A_26 = arith.constant 1 : i32
      scf.for %scan3A_28 = %scan3A_23 to %scan3A_25 step %scan3A_26  : i32 {
        %mul3A = arith.constant 1 : i32
        %mul3A_29 = arith.muli %scan3A_28, %mul3A : i32
        %add3A = arith.constant 0 : i32
        %add3A_30 = arith.addi %add3A, %mul3A_29 : i32
        %dma_start3A = arith.constant 0 : i32
        %dma_start3A_31 = tpu.memref_slice %arg8[%add3A_30, %dma_start3A] : memref<105x128xi32, #tpu.memory_space<vmem>> -> memref<1x128xi32, #tpu.memory_space<vmem>>
        %dma_start3A_32 = tpu.memref_squeeze %dma_start3A_31 : memref<1x128xi32, #tpu.memory_space<vmem>> -> memref<128xi32, #tpu.memory_space<vmem>>
        %dma_start3A_33 = arith.constant 0 : i32
        %dma_start3A_34 = arith.constant 0 : i32
        %dma_start3A_35 = tpu.memref_slice %arg2[%dma_start3A_33, %dma_start3A_34] : memref<10000x128xf32, #tpu.memory_space<hbm>> -> memref<10000x128xf32, #tpu.memory_space<hbm>>
        tpu.enqueue_indirect_dma source(%dma_start3A_35 : memref<10000x128xf32, #tpu.memory_space<hbm>>) target(%arg10 : memref<128x128xf32, #tpu.memory_space<vmem>>) offsets(%dma_start3A_32 : memref<128xi32, #tpu.memory_space<vmem>>) semaphore(%arg12 : memref<!tpu.dma_semaphore, #tpu.memory_space<semaphore_mem>>)
        %dma_wait3A = arith.constant 0 : i32
        %dma_wait3A_36 = tpu.memref_slice %arg8[%add3A_30, %dma_wait3A] : memref<105x128xi32, #tpu.memory_space<vmem>> -> memref<1x128xi32, #tpu.memory_space<vmem>>
        %dma_wait3A_37 = tpu.memref_squeeze %dma_wait3A_36 : memref<1x128xi32, #tpu.memory_space<vmem>> -> memref<128xi32, #tpu.memory_space<vmem>>
        %dma_wait3A_38 = arith.constant 0 : i32
        %dma_wait3A_39 = arith.constant 0 : i32
        %dma_wait3A_40 = tpu.memref_slice %arg2[%dma_wait3A_38, %dma_wait3A_39] : memref<10000x128xf32, #tpu.memory_space<hbm>> -> memref<10000x128xf32, #tpu.memory_space<hbm>>
        tpu.wait_indirect_dma semaphore(%arg12 : memref<!tpu.dma_semaphore, #tpu.memory_space<semaphore_mem>>) src(%dma_wait3A_40 : memref<10000x128xf32, #tpu.memory_space<hbm>>) dst(%arg10 : memref<128x128xf32, #tpu.memory_space<vmem>>)
        "tpu.region"() ({
          %run_scoped3A = tpu.sem_alloc : memref<!tpu.dma_semaphore, #tpu.memory_space<semaphore_mem>>
          %dma_start3A_41 = arith.constant 0 : i32
          %dma_start3A_42 = tpu.memref_slice %arg9[%add3A_30, %dma_start3A_41] : memref<105x128xi32, #tpu.memory_space<vmem>> -> memref<1x128xi32, #tpu.memory_space<vmem>>
          %dma_start3A_43 = tpu.memref_squeeze %dma_start3A_42 : memref<1x128xi32, #tpu.memory_space<vmem>> -> memref<128xi32, #tpu.memory_space<vmem>>
          %dma_start3A_44 = arith.constant 0 : i32
          %dma_start3A_45 = arith.constant 0 : i32
          %dma_start3A_46 = tpu.memref_slice %arg11[%dma_start3A_44, %dma_start3A_45] : memref<10240x128xf32, #tpu.memory_space<vmem_shared>> -> memref<10240x128xf32, #tpu.memory_space<vmem_shared>>
          tpu.enqueue_indirect_dma source(%arg10 : memref<128x128xf32, #tpu.memory_space<vmem>>) target(%dma_start3A_46 : memref<10240x128xf32, #tpu.memory_space<vmem_shared>>) offsets(%dma_start3A_43 : memref<128xi32, #tpu.memory_space<vmem>>) semaphore(%run_scoped3A : memref<!tpu.dma_semaphore, #tpu.memory_space<semaphore_mem>>) {add = true}
          %dma_wait3A_47 = arith.constant 0 : i32
          %dma_wait3A_48 = tpu.memref_slice %arg9[%add3A_30, %dma_wait3A_47] : memref<105x128xi32, #tpu.memory_space<vmem>> -> memref<1x128xi32, #tpu.memory_space<vmem>>
          %dma_wait3A_49 = tpu.memref_squeeze %dma_wait3A_48 : memref<1x128xi32, #tpu.memory_space<vmem>> -> memref<128xi32, #tpu.memory_space<vmem>>
          %dma_wait3A_50 = arith.constant 0 : i32
          %dma_wait3A_51 = arith.constant 0 : i32
          %dma_wait3A_52 = tpu.memref_slice %arg11[%dma_wait3A_50, %dma_wait3A_51] : memref<10240x128xf32, #tpu.memory_space<vmem_shared>> -> memref<10240x128xf32, #tpu.memory_space<vmem_shared>>
          tpu.wait_indirect_dma semaphore(%run_scoped3A : memref<!tpu.dma_semaphore, #tpu.memory_space<semaphore_mem>>) src(%arg10 : memref<128x128xf32, #tpu.memory_space<vmem>>) dst(%dma_wait3A_52 : memref<10240x128xf32, #tpu.memory_space<vmem_shared>>)
          tpu.yield
        }) : () -> ()
      }
      %scan3A_27 = arith.constant 105 : i32
    } else {
    }
    %eq3A_12 = arith.constant 1 : i32
    %eq3A_13 = arith.cmpi eq, %arg0, %eq3A_12 : i32
    %convert_element_type3A_14 = arith.extui %eq3A_13 : i1 to i32
    %cond3A_15 = arith.constant 0 : i32
    %cond3A_16 = arith.cmpi ne, %convert_element_type3A_14, %cond3A_15 : i32
    scf.if %cond3A_16 {
      "tpu.region"() ({
        %run_scoped3A = tpu.sem_alloc : memref<!tpu.dma_semaphore, #tpu.memory_space<semaphore_mem>>
        %dma_start3A = arith.constant 0 : i32
        %dma_start3A_28 = arith.constant 0 : i32
        %dma_start3A_29 = tpu.memref_slice %arg8[%dma_start3A, %dma_start3A_28] : memref<105x128xi32, #tpu.memory_space<vmem>> -> memref<53x128xi32, #tpu.memory_space<vmem>>
        %dma_start3A_30 = arith.constant 0 : i32
        %dma_start3A_31 = arith.constant 0 : i32
        %dma_start3A_32 = tpu.memref_slice %arg5[%arg1, %dma_start3A_30, %dma_start3A_31] : memref<16x53x128xi32, #tpu.memory_space<hbm>> -> memref<1x53x128xi32, #tpu.memory_space<hbm>>
        %dma_start3A_33 = tpu.memref_squeeze %dma_start3A_32 : memref<1x53x128xi32, #tpu.memory_space<hbm>> -> memref<53x128xi32, #tpu.memory_space<hbm>>
        %dma_start3A_34 = arith.constant 0 : i32
        %dma_start3A_35 = arith.constant 0 : i32
        %dma_start3A_36 = tpu.memref_slice %arg8[%dma_start3A_34, %dma_start3A_35] : memref<105x128xi32, #tpu.memory_space<vmem>> -> memref<53x128xi32, #tpu.memory_space<vmem>>
        %dma_start3A_37 = arith.constant 0 : i32
        %dma_start3A_38 = arith.constant 0 : i32
        %dma_start3A_39 = tpu.memref_slice %arg5[%arg1, %dma_start3A_37, %dma_start3A_38] : memref<16x53x128xi32, #tpu.memory_space<hbm>> -> memref<1x53x128xi32, #tpu.memory_space<hbm>>
        %dma_start3A_40 = tpu.memref_squeeze %dma_start3A_39 : memref<1x53x128xi32, #tpu.memory_space<hbm>> -> memref<53x128xi32, #tpu.memory_space<hbm>>
        tpu.enqueue_dma source(%dma_start3A_40 : memref<53x128xi32, #tpu.memory_space<hbm>>) target(%dma_start3A_36 : memref<53x128xi32, #tpu.memory_space<vmem>>) target_semaphore(%run_scoped3A : memref<!tpu.dma_semaphore, #tpu.memory_space<semaphore_mem>>)
        %dma_wait3A = arith.constant 0 : i32
        %dma_wait3A_41 = arith.constant 0 : i32
        %dma_wait3A_42 = tpu.memref_slice %arg8[%dma_wait3A, %dma_wait3A_41] : memref<105x128xi32, #tpu.memory_space<vmem>> -> memref<53x128xi32, #tpu.memory_space<vmem>>
        %dma_wait3A_43 = arith.constant 0 : i32
        %dma_wait3A_44 = arith.constant 0 : i32
        %dma_wait3A_45 = tpu.memref_slice %arg5[%arg1, %dma_wait3A_43, %dma_wait3A_44] : memref<16x53x128xi32, #tpu.memory_space<hbm>> -> memref<1x53x128xi32, #tpu.memory_space<hbm>>
        %dma_wait3A_46 = tpu.memref_squeeze %dma_wait3A_45 : memref<1x53x128xi32, #tpu.memory_space<hbm>> -> memref<53x128xi32, #tpu.memory_space<hbm>>
        %dma_wait3A_47 = arith.constant 0 : i32
        %dma_wait3A_48 = arith.constant 0 : i32
        %dma_wait3A_49 = tpu.memref_slice %arg8[%dma_wait3A_47, %dma_wait3A_48] : memref<105x128xi32, #tpu.memory_space<vmem>> -> memref<53x128xi32, #tpu.memory_space<vmem>>
        %dma_wait3A_50 = arith.constant 0 : i32
        %dma_wait3A_51 = arith.constant 0 : i32
        %dma_wait3A_52 = tpu.memref_slice %arg5[%arg1, %dma_wait3A_50, %dma_wait3A_51] : memref<16x53x128xi32, #tpu.memory_space<hbm>> -> memref<1x53x128xi32, #tpu.memory_space<hbm>>
        %dma_wait3A_53 = tpu.memref_squeeze %dma_wait3A_52 : memref<1x53x128xi32, #tpu.memory_space<hbm>> -> memref<53x128xi32, #tpu.memory_space<hbm>>
        tpu.wait_dma2 semaphore(%run_scoped3A : memref<!tpu.dma_semaphore, #tpu.memory_space<semaphore_mem>>) src(%dma_wait3A_53 : memref<53x128xi32, #tpu.memory_space<hbm>>) dst(%dma_wait3A_49 : memref<53x128xi32, #tpu.memory_space<vmem>>)
        tpu.yield
      }) : () -> ()
      "tpu.region"() ({
        %run_scoped3A = tpu.sem_alloc : memref<!tpu.dma_semaphore, #tpu.memory_space<semaphore_mem>>
        %dma_start3A = arith.constant 0 : i32
        %dma_start3A_28 = arith.constant 0 : i32
        %dma_start3A_29 = tpu.memref_slice %arg9[%dma_start3A, %dma_start3A_28] : memref<105x128xi32, #tpu.memory_space<vmem>> -> memref<53x128xi32, #tpu.memory_space<vmem>>
        %dma_start3A_30 = arith.constant 0 : i32
        %dma_start3A_31 = arith.constant 0 : i32
        %dma_start3A_32 = tpu.memref_slice %arg6[%arg1, %dma_start3A_30, %dma_start3A_31] : memref<16x53x128xi32, #tpu.memory_space<hbm>> -> memref<1x53x128xi32, #tpu.memory_space<hbm>>
        %dma_start3A_33 = tpu.memref_squeeze %dma_start3A_32 : memref<1x53x128xi32, #tpu.memory_space<hbm>> -> memref<53x128xi32, #tpu.memory_space<hbm>>
        %dma_start3A_34 = arith.constant 0 : i32
        %dma_start3A_35 = arith.constant 0 : i32
        %dma_start3A_36 = tpu.memref_slice %arg9[%dma_start3A_34, %dma_start3A_35] : memref<105x128xi32, #tpu.memory_space<vmem>> -> memref<53x128xi32, #tpu.memory_space<vmem>>
        %dma_start3A_37 = arith.constant 0 : i32
        %dma_start3A_38 = arith.constant 0 : i32
        %dma_start3A_39 = tpu.memref_slice %arg6[%arg1, %dma_start3A_37, %dma_start3A_38] : memref<16x53x128xi32, #tpu.memory_space<hbm>> -> memref<1x53x128xi32, #tpu.memory_space<hbm>>
        %dma_start3A_40 = tpu.memref_squeeze %dma_start3A_39 : memref<1x53x128xi32, #tpu.memory_space<hbm>> -> memref<53x128xi32, #tpu.memory_space<hbm>>
        tpu.enqueue_dma source(%dma_start3A_40 : memref<53x128xi32, #tpu.memory_space<hbm>>) target(%dma_start3A_36 : memref<53x128xi32, #tpu.memory_space<vmem>>) target_semaphore(%run_scoped3A : memref<!tpu.dma_semaphore, #tpu.memory_space<semaphore_mem>>)
        %dma_wait3A = arith.constant 0 : i32
        %dma_wait3A_41 = arith.constant 0 : i32
        %dma_wait3A_42 = tpu.memref_slice %arg9[%dma_wait3A, %dma_wait3A_41] : memref<105x128xi32, #tpu.memory_space<vmem>> -> memref<53x128xi32, #tpu.memory_space<vmem>>
        %dma_wait3A_43 = arith.constant 0 : i32
        %dma_wait3A_44 = arith.constant 0 : i32
        %dma_wait3A_45 = tpu.memref_slice %arg6[%arg1, %dma_wait3A_43, %dma_wait3A_44] : memref<16x53x128xi32, #tpu.memory_space<hbm>> -> memref<1x53x128xi32, #tpu.memory_space<hbm>>
        %dma_wait3A_46 = tpu.memref_squeeze %dma_wait3A_45 : memref<1x53x128xi32, #tpu.memory_space<hbm>> -> memref<53x128xi32, #tpu.memory_space<hbm>>
        %dma_wait3A_47 = arith.constant 0 : i32
        %dma_wait3A_48 = arith.constant 0 : i32
        %dma_wait3A_49 = tpu.memref_slice %arg9[%dma_wait3A_47, %dma_wait3A_48] : memref<105x128xi32, #tpu.memory_space<vmem>> -> memref<53x128xi32, #tpu.memory_space<vmem>>
        %dma_wait3A_50 = arith.constant 0 : i32
        %dma_wait3A_51 = arith.constant 0 : i32
        %dma_wait3A_52 = tpu.memref_slice %arg6[%arg1, %dma_wait3A_50, %dma_wait3A_51] : memref<16x53x128xi32, #tpu.memory_space<hbm>> -> memref<1x53x128xi32, #tpu.memory_space<hbm>>
        %dma_wait3A_53 = tpu.memref_squeeze %dma_wait3A_52 : memref<1x53x128xi32, #tpu.memory_space<hbm>> -> memref<53x128xi32, #tpu.memory_space<hbm>>
        tpu.wait_dma2 semaphore(%run_scoped3A : memref<!tpu.dma_semaphore, #tpu.memory_space<semaphore_mem>>) src(%dma_wait3A_53 : memref<53x128xi32, #tpu.memory_space<hbm>>) dst(%dma_wait3A_49 : memref<53x128xi32, #tpu.memory_space<vmem>>)
        tpu.yield
      }) : () -> ()
      %scan3A_23 = arith.constant 0 : i32
      %scan3A_24 = arith.constant 53 : i32
      %scan3A_25 = arith.addi %scan3A_23, %scan3A_24 : i32
      %scan3A_26 = arith.constant 1 : i32
      scf.for %scan3A_28 = %scan3A_23 to %scan3A_25 step %scan3A_26  : i32 {
        %mul3A = arith.constant 1 : i32
        %mul3A_29 = arith.muli %scan3A_28, %mul3A : i32
        %add3A = arith.constant 0 : i32
        %add3A_30 = arith.addi %add3A, %mul3A_29 : i32
        %dma_start3A = arith.constant 0 : i32
        %dma_start3A_31 = tpu.memref_slice %arg8[%add3A_30, %dma_start3A] : memref<105x128xi32, #tpu.memory_space<vmem>> -> memref<1x128xi32, #tpu.memory_space<vmem>>
        %dma_start3A_32 = tpu.memref_squeeze %dma_start3A_31 : memref<1x128xi32, #tpu.memory_space<vmem>> -> memref<128xi32, #tpu.memory_space<vmem>>
        %dma_start3A_33 = arith.constant 0 : i32
        %dma_start3A_34 = arith.constant 0 : i32
        %dma_start3A_35 = tpu.memref_slice %arg2[%dma_start3A_33, %dma_start3A_34] : memref<10000x128xf32, #tpu.memory_space<hbm>> -> memref<10000x128xf32, #tpu.memory_space<hbm>>
        tpu.enqueue_indirect_dma source(%dma_start3A_35 : memref<10000x128xf32, #tpu.memory_space<hbm>>) target(%arg10 : memref<128x128xf32, #tpu.memory_space<vmem>>) offsets(%dma_start3A_32 : memref<128xi32, #tpu.memory_space<vmem>>) semaphore(%arg12 : memref<!tpu.dma_semaphore, #tpu.memory_space<semaphore_mem>>)
        %dma_wait3A = arith.constant 0 : i32
        %dma_wait3A_36 = tpu.memref_slice %arg8[%add3A_30, %dma_wait3A] : memref<105x128xi32, #tpu.memory_space<vmem>> -> memref<1x128xi32, #tpu.memory_space<vmem>>
        %dma_wait3A_37 = tpu.memref_squeeze %dma_wait3A_36 : memref<1x128xi32, #tpu.memory_space<vmem>> -> memref<128xi32, #tpu.memory_space<vmem>>
        %dma_wait3A_38 = arith.constant 0 : i32
        %dma_wait3A_39 = arith.constant 0 : i32
        %dma_wait3A_40 = tpu.memref_slice %arg2[%dma_wait3A_38, %dma_wait3A_39] : memref<10000x128xf32, #tpu.memory_space<hbm>> -> memref<10000x128xf32, #tpu.memory_space<hbm>>
        tpu.wait_indirect_dma semaphore(%arg12 : memref<!tpu.dma_semaphore, #tpu.memory_space<semaphore_mem>>) src(%dma_wait3A_40 : memref<10000x128xf32, #tpu.memory_space<hbm>>) dst(%arg10 : memref<128x128xf32, #tpu.memory_space<vmem>>)
        "tpu.region"() ({
          %run_scoped3A = tpu.sem_alloc : memref<!tpu.dma_semaphore, #tpu.memory_space<semaphore_mem>>
          %dma_start3A_41 = arith.constant 0 : i32
          %dma_start3A_42 = tpu.memref_slice %arg9[%add3A_30, %dma_start3A_41] : memref<105x128xi32, #tpu.memory_space<vmem>> -> memref<1x128xi32, #tpu.memory_space<vmem>>
          %dma_start3A_43 = tpu.memref_squeeze %dma_start3A_42 : memref<1x128xi32, #tpu.memory_space<vmem>> -> memref<128xi32, #tpu.memory_space<vmem>>
          %dma_start3A_44 = arith.constant 0 : i32
          %dma_start3A_45 = arith.constant 0 : i32
          %dma_start3A_46 = tpu.memref_slice %arg11[%dma_start3A_44, %dma_start3A_45] : memref<10240x128xf32, #tpu.memory_space<vmem_shared>> -> memref<10240x128xf32, #tpu.memory_space<vmem_shared>>
          tpu.enqueue_indirect_dma source(%arg10 : memref<128x128xf32, #tpu.memory_space<vmem>>) target(%dma_start3A_46 : memref<10240x128xf32, #tpu.memory_space<vmem_shared>>) offsets(%dma_start3A_43 : memref<128xi32, #tpu.memory_space<vmem>>) semaphore(%run_scoped3A : memref<!tpu.dma_semaphore, #tpu.memory_space<semaphore_mem>>) {add = true}
          %dma_wait3A_47 = arith.constant 0 : i32
          %dma_wait3A_48 = tpu.memref_slice %arg9[%add3A_30, %dma_wait3A_47] : memref<105x128xi32, #tpu.memory_space<vmem>> -> memref<1x128xi32, #tpu.memory_space<vmem>>
          %dma_wait3A_49 = tpu.memref_squeeze %dma_wait3A_48 : memref<1x128xi32, #tpu.memory_space<vmem>> -> memref<128xi32, #tpu.memory_space<vmem>>
          %dma_wait3A_50 = arith.constant 0 : i32
          %dma_wait3A_51 = arith.constant 0 : i32
          %dma_wait3A_52 = tpu.memref_slice %arg11[%dma_wait3A_50, %dma_wait3A_51] : memref<10240x128xf32, #tpu.memory_space<vmem_shared>> -> memref<10240x128xf32, #tpu.memory_space<vmem_shared>>
          tpu.wait_indirect_dma semaphore(%run_scoped3A : memref<!tpu.dma_semaphore, #tpu.memory_space<semaphore_mem>>) src(%arg10 : memref<128x128xf32, #tpu.memory_space<vmem>>) dst(%dma_wait3A_52 : memref<10240x128xf32, #tpu.memory_space<vmem_shared>>)
          tpu.yield
        }) : () -> ()
      }
      %scan3A_27 = arith.constant 53 : i32
    } else {
    }
    %barrier3A_17 = arith.constant 0 : index
    tpu.barrier barrier_id(%barrier3A_17)
    %scan3A_18 = arith.constant 0 : i32
    %scan3A_19 = arith.constant 5 : i32
    %scan3A_20 = arith.addi %scan3A_18, %scan3A_19 : i32
    %scan3A_21 = arith.constant 1 : i32
    scf.for %scan3A_23 = %scan3A_18 to %scan3A_20 step %scan3A_21  : i32 {
      %mul3A = arith.constant 1 : i32
      %mul3A_24 = arith.muli %scan3A_23, %mul3A : i32
      %add3A = arith.constant 0 : i32
      %add3A_25 = arith.addi %add3A, %mul3A_24 : i32
      %mul3A_26 = arith.constant 640 : i32
      %mul3A_27 = arith.muli %arg1, %mul3A_26 : i32
      %mul3A_28 = arith.constant 128 : i32
      %mul3A_29 = arith.muli %add3A_25, %mul3A_28 : i32
      %add3A_30 = arith.addi %mul3A_27, %mul3A_29 : i32
      "tpu.region"() ({
        %run_scoped3A = tpu.sem_alloc : memref<!tpu.dma_semaphore, #tpu.memory_space<semaphore_mem>>
        %dma_start3A = arith.constant 0 : i32
        %dma_start3A_36 = tpu.memref_slice %arg11[%add3A_30, %dma_start3A] : memref<10240x128xf32, #tpu.memory_space<vmem_shared>> -> memref<128x128xf32, #tpu.memory_space<vmem_shared>>
        %dma_start3A_37 = arith.constant 0 : i32
        %dma_start3A_38 = tpu.memref_slice %arg11[%add3A_30, %dma_start3A_37] : memref<10240x128xf32, #tpu.memory_space<vmem_shared>> -> memref<128x128xf32, #tpu.memory_space<vmem_shared>>
        tpu.enqueue_dma source(%dma_start3A_38 : memref<128x128xf32, #tpu.memory_space<vmem_shared>>) target(%arg10 : memref<128x128xf32, #tpu.memory_space<vmem>>) target_semaphore(%run_scoped3A : memref<!tpu.dma_semaphore, #tpu.memory_space<semaphore_mem>>)
        %dma_wait3A = arith.constant 0 : i32
        %dma_wait3A_39 = tpu.memref_slice %arg11[%add3A_30, %dma_wait3A] : memref<10240x128xf32, #tpu.memory_space<vmem_shared>> -> memref<128x128xf32, #tpu.memory_space<vmem_shared>>
        %dma_wait3A_40 = arith.constant 0 : i32
        %dma_wait3A_41 = tpu.memref_slice %arg11[%add3A_30, %dma_wait3A_40] : memref<10240x128xf32, #tpu.memory_space<vmem_shared>> -> memref<128x128xf32, #tpu.memory_space<vmem_shared>>
        tpu.wait_dma2 semaphore(%run_scoped3A : memref<!tpu.dma_semaphore, #tpu.memory_space<semaphore_mem>>) src(%dma_wait3A_41 : memref<128x128xf32, #tpu.memory_space<vmem_shared>>) dst(%arg10 : memref<128x128xf32, #tpu.memory_space<vmem>>)
        tpu.yield
      }) : () -> ()
      %mul3A_31 = arith.constant 640 : i32
      %mul3A_32 = arith.muli %arg1, %mul3A_31 : i32
      %mul3A_33 = arith.constant 128 : i32
      %mul3A_34 = arith.muli %add3A_25, %mul3A_33 : i32
      %add3A_35 = arith.addi %mul3A_32, %mul3A_34 : i32
      "tpu.region"() ({
        %run_scoped3A = tpu.sem_alloc : memref<!tpu.dma_semaphore, #tpu.memory_space<semaphore_mem>>
        %dma_start3A = arith.constant 0 : i32
        %dma_start3A_36 = tpu.memref_slice %arg7[%arg0, %add3A_35, %dma_start3A] : memref<2x10240x128xf32, #tpu.memory_space<hbm>> -> memref<1x128x128xf32, #tpu.memory_space<hbm>>
        %dma_start3A_37 = tpu.memref_squeeze %dma_start3A_36 : memref<1x128x128xf32, #tpu.memory_space<hbm>> -> memref<128x128xf32, #tpu.memory_space<hbm>>
        %dma_start3A_38 = arith.constant 0 : i32
        %dma_start3A_39 = tpu.memref_slice %arg7[%arg0, %add3A_35, %dma_start3A_38] : memref<2x10240x128xf32, #tpu.memory_space<hbm>> -> memref<1x128x128xf32, #tpu.memory_space<hbm>>
        %dma_start3A_40 = tpu.memref_squeeze %dma_start3A_39 : memref<1x128x128xf32, #tpu.memory_space<hbm>> -> memref<128x128xf32, #tpu.memory_space<hbm>>
        tpu.enqueue_dma source(%arg10 : memref<128x128xf32, #tpu.memory_space<vmem>>) target(%dma_start3A_40 : memref<128x128xf32, #tpu.memory_space<hbm>>) target_semaphore(%run_scoped3A : memref<!tpu.dma_semaphore, #tpu.memory_space<semaphore_mem>>)
        %dma_wait3A = arith.constant 0 : i32
        %dma_wait3A_41 = tpu.memref_slice %arg7[%arg0, %add3A_35, %dma_wait3A] : memref<2x10240x128xf32, #tpu.memory_space<hbm>> -> memref<1x128x128xf32, #tpu.memory_space<hbm>>
        %dma_wait3A_42 = tpu.memref_squeeze %dma_wait3A_41 : memref<1x128x128xf32, #tpu.memory_space<hbm>> -> memref<128x128xf32, #tpu.memory_space<hbm>>
        %dma_wait3A_43 = arith.constant 0 : i32
        %dma_wait3A_44 = tpu.memref_slice %arg7[%arg0, %add3A_35, %dma_wait3A_43] : memref<2x10240x128xf32, #tpu.memory_space<hbm>> -> memref<1x128x128xf32, #tpu.memory_space<hbm>>
        %dma_wait3A_45 = tpu.memref_squeeze %dma_wait3A_44 : memref<1x128x128xf32, #tpu.memory_space<hbm>> -> memref<128x128xf32, #tpu.memory_space<hbm>>
        tpu.wait_dma2 semaphore(%run_scoped3A : memref<!tpu.dma_semaphore, #tpu.memory_space<semaphore_mem>>) src(%arg10 : memref<128x128xf32, #tpu.memory_space<vmem>>) dst(%dma_wait3A_45 : memref<128x128xf32, #tpu.memory_space<hbm>>)
        tpu.yield
      }) : () -> ()
    }
    %scan3A_22 = arith.constant 5 : i32
    return
  }
}

#map = affine_map<(d0, d1) -> (0, 0, 0)>
module attributes {stable_mosaic.version = 14 : i64} {
  func.func @_hist_body(%arg0: i32, %arg1: i32, %arg2: memref<32x79x128xi32, #tpu.memory_space<hbm>>, %arg3: memref<32x1x10240xf32, #tpu.memory_space<hbm>>, %arg4: memref<79x128xi32, #tpu.memory_space<vmem>>, %arg5: memref<1x10240xf32, #tpu.memory_space<vmem>>) attributes {dimension_semantics = [#tpu.dimension_semantics<core_parallel>, #tpu.dimension_semantics<subcore_parallel>], iteration_bounds = array<i64: 2, 16>, scalar_prefetch = 0 : i64, scratch_operands = 2 : i64, tpu.core_type = #tpu.core_type<sc_vector_subcore>, window_params = [{transform_indices = #map}, {transform_indices = #map}]} {
    %mul3A = arith.constant 16 : i32
    %mul3A_0 = arith.muli %arg0, %mul3A : i32
    %add3A = arith.addi %mul3A_0, %arg1 : i32
    "tpu.region"() ({
      %run_scoped3A = tpu.sem_alloc : memref<!tpu.dma_semaphore, #tpu.memory_space<semaphore_mem>>
      %dma_start3A = arith.constant 0 : i32
      %dma_start3A_15 = arith.constant 0 : i32
      %dma_start3A_16 = tpu.memref_slice %arg2[%add3A, %dma_start3A, %dma_start3A_15] : memref<32x79x128xi32, #tpu.memory_space<hbm>> -> memref<1x79x128xi32, #tpu.memory_space<hbm>>
      %dma_start3A_17 = tpu.memref_squeeze %dma_start3A_16 : memref<1x79x128xi32, #tpu.memory_space<hbm>> -> memref<79x128xi32, #tpu.memory_space<hbm>>
      %dma_start3A_18 = arith.constant 0 : i32
      %dma_start3A_19 = arith.constant 0 : i32
      %dma_start3A_20 = tpu.memref_slice %arg2[%add3A, %dma_start3A_18, %dma_start3A_19] : memref<32x79x128xi32, #tpu.memory_space<hbm>> -> memref<1x79x128xi32, #tpu.memory_space<hbm>>
      %dma_start3A_21 = tpu.memref_squeeze %dma_start3A_20 : memref<1x79x128xi32, #tpu.memory_space<hbm>> -> memref<79x128xi32, #tpu.memory_space<hbm>>
      tpu.enqueue_dma source(%dma_start3A_21 : memref<79x128xi32, #tpu.memory_space<hbm>>) target(%arg4 : memref<79x128xi32, #tpu.memory_space<vmem>>) target_semaphore(%run_scoped3A : memref<!tpu.dma_semaphore, #tpu.memory_space<semaphore_mem>>)
      %dma_wait3A = arith.constant 0 : i32
      %dma_wait3A_22 = arith.constant 0 : i32
      %dma_wait3A_23 = tpu.memref_slice %arg2[%add3A, %dma_wait3A, %dma_wait3A_22] : memref<32x79x128xi32, #tpu.memory_space<hbm>> -> memref<1x79x128xi32, #tpu.memory_space<hbm>>
      %dma_wait3A_24 = tpu.memref_squeeze %dma_wait3A_23 : memref<1x79x128xi32, #tpu.memory_space<hbm>> -> memref<79x128xi32, #tpu.memory_space<hbm>>
      %dma_wait3A_25 = arith.constant 0 : i32
      %dma_wait3A_26 = arith.constant 0 : i32
      %dma_wait3A_27 = tpu.memref_slice %arg2[%add3A, %dma_wait3A_25, %dma_wait3A_26] : memref<32x79x128xi32, #tpu.memory_space<hbm>> -> memref<1x79x128xi32, #tpu.memory_space<hbm>>
      %dma_wait3A_28 = tpu.memref_squeeze %dma_wait3A_27 : memref<1x79x128xi32, #tpu.memory_space<hbm>> -> memref<79x128xi32, #tpu.memory_space<hbm>>
      tpu.wait_dma2 semaphore(%run_scoped3A : memref<!tpu.dma_semaphore, #tpu.memory_space<semaphore_mem>>) src(%dma_wait3A_28 : memref<79x128xi32, #tpu.memory_space<hbm>>) dst(%arg4 : memref<79x128xi32, #tpu.memory_space<vmem>>)
      tpu.yield
    }) : () -> ()
    %broadcast_in_dim3A = arith.constant 0.000000e+00 : f32
    %broadcast_in_dim3A_1 = vector.broadcast %broadcast_in_dim3A : f32 to vector<16xf32>
    %scan3A = arith.constant 0 : i32
    %scan3A_2 = arith.constant 640 : i32
    %scan3A_3 = arith.addi %scan3A, %scan3A_2 : i32
    %scan3A_4 = arith.constant 8 : i32
    scf.for %scan3A_15 = %scan3A to %scan3A_3 step %scan3A_4  : i32 {
      %mul3A_16 = arith.constant 1 : i32
      %mul3A_17 = arith.muli %scan3A_15, %mul3A_16 : i32
      %add3A_18 = arith.constant 0 : i32
      %add3A_19 = arith.addi %add3A_18, %mul3A_17 : i32
      %mul3A_20 = arith.constant 16 : i32
      %mul3A_21 = arith.muli %add3A_19, %mul3A_20 : i32
      %swap3A = arith.constant 0 : i32
      %swap3A_22 = arith.index_cast %swap3A : i32 to index
      %swap3A_23 = arith.index_cast %mul3A_21 : i32 to index
      %swap3A_24 = tpu.vector_load %arg5[%swap3A_22, %swap3A_23] {strides = array<i32>} : memref<1x10240xf32, #tpu.memory_space<vmem>>, vector<16xf32>,
      tpu.vector_store %arg5[%swap3A_22, %swap3A_23], %broadcast_in_dim3A_1 {strides = array<i32>} : memref<1x10240xf32, #tpu.memory_space<vmem>>, vector<16xf32>,
      %scan3A_25 = arith.constant 1 : i32
      %scan3A_26 = arith.addi %scan3A_15, %scan3A_25 : i32
      %mul3A_27 = arith.constant 1 : i32
      %mul3A_28 = arith.muli %scan3A_26, %mul3A_27 : i32
      %add3A_29 = arith.constant 0 : i32
      %add3A_30 = arith.addi %add3A_29, %mul3A_28 : i32
      %mul3A_31 = arith.constant 16 : i32
      %mul3A_32 = arith.muli %add3A_30, %mul3A_31 : i32
      %swap3A_33 = arith.constant 0 : i32
      %swap3A_34 = arith.index_cast %swap3A_33 : i32 to index
      %swap3A_35 = arith.index_cast %mul3A_32 : i32 to index
      %swap3A_36 = tpu.vector_load %arg5[%swap3A_34, %swap3A_35] {strides = array<i32>} : memref<1x10240xf32, #tpu.memory_space<vmem>>, vector<16xf32>,
      tpu.vector_store %arg5[%swap3A_34, %swap3A_35], %broadcast_in_dim3A_1 {strides = array<i32>} : memref<1x10240xf32, #tpu.memory_space<vmem>>, vector<16xf32>,
      %scan3A_37 = arith.constant 2 : i32
      %scan3A_38 = arith.addi %scan3A_15, %scan3A_37 : i32
      %mul3A_39 = arith.constant 1 : i32
      %mul3A_40 = arith.muli %scan3A_38, %mul3A_39 : i32
      %add3A_41 = arith.constant 0 : i32
      %add3A_42 = arith.addi %add3A_41, %mul3A_40 : i32
      %mul3A_43 = arith.constant 16 : i32
      %mul3A_44 = arith.muli %add3A_42, %mul3A_43 : i32
      %swap3A_45 = arith.constant 0 : i32
      %swap3A_46 = arith.index_cast %swap3A_45 : i32 to index
      %swap3A_47 = arith.index_cast %mul3A_44 : i32 to index
      %swap3A_48 = tpu.vector_load %arg5[%swap3A_46, %swap3A_47] {strides = array<i32>} : memref<1x10240xf32, #tpu.memory_space<vmem>>, vector<16xf32>,
      tpu.vector_store %arg5[%swap3A_46, %swap3A_47], %broadcast_in_dim3A_1 {strides = array<i32>} : memref<1x10240xf32, #tpu.memory_space<vmem>>, vector<16xf32>,
      %scan3A_49 = arith.constant 3 : i32
      %scan3A_50 = arith.addi %scan3A_15, %scan3A_49 : i32
      %mul3A_51 = arith.constant 1 : i32
      %mul3A_52 = arith.muli %scan3A_50, %mul3A_51 : i32
      %add3A_53 = arith.constant 0 : i32
      %add3A_54 = arith.addi %add3A_53, %mul3A_52 : i32
      %mul3A_55 = arith.constant 16 : i32
      %mul3A_56 = arith.muli %add3A_54, %mul3A_55 : i32
      %swap3A_57 = arith.constant 0 : i32
      %swap3A_58 = arith.index_cast %swap3A_57 : i32 to index
      %swap3A_59 = arith.index_cast %mul3A_56 : i32 to index
      %swap3A_60 = tpu.vector_load %arg5[%swap3A_58, %swap3A_59] {strides = array<i32>} : memref<1x10240xf32, #tpu.memory_space<vmem>>, vector<16xf32>,
      tpu.vector_store %arg5[%swap3A_58, %swap3A_59], %broadcast_in_dim3A_1 {strides = array<i32>} : memref<1x10240xf32, #tpu.memory_space<vmem>>, vector<16xf32>,
      %scan3A_61 = arith.constant 4 : i32
      %scan3A_62 = arith.addi %scan3A_15, %scan3A_61 : i32
      %mul3A_63 = arith.constant 1 : i32
      %mul3A_64 = arith.muli %scan3A_62, %mul3A_63 : i32
      %add3A_65 = arith.constant 0 : i32
      %add3A_66 = arith.addi %add3A_65, %mul3A_64 : i32
      %mul3A_67 = arith.constant 16 : i32
      %mul3A_68 = arith.muli %add3A_66, %mul3A_67 : i32
      %swap3A_69 = arith.constant 0 : i32
      %swap3A_70 = arith.index_cast %swap3A_69 : i32 to index
      %swap3A_71 = arith.index_cast %mul3A_68 : i32 to index
      %swap3A_72 = tpu.vector_load %arg5[%swap3A_70, %swap3A_71] {strides = array<i32>} : memref<1x10240xf32, #tpu.memory_space<vmem>>, vector<16xf32>,
      tpu.vector_store %arg5[%swap3A_70, %swap3A_71], %broadcast_in_dim3A_1 {strides = array<i32>} : memref<1x10240xf32, #tpu.memory_space<vmem>>, vector<16xf32>,
      %scan3A_73 = arith.constant 5 : i32
      %scan3A_74 = arith.addi %scan3A_15, %scan3A_73 : i32
      %mul3A_75 = arith.constant 1 : i32
      %mul3A_76 = arith.muli %scan3A_74, %mul3A_75 : i32
      %add3A_77 = arith.constant 0 : i32
      %add3A_78 = arith.addi %add3A_77, %mul3A_76 : i32
      %mul3A_79 = arith.constant 16 : i32
      %mul3A_80 = arith.muli %add3A_78, %mul3A_79 : i32
      %swap3A_81 = arith.constant 0 : i32
      %swap3A_82 = arith.index_cast %swap3A_81 : i32 to index
      %swap3A_83 = arith.index_cast %mul3A_80 : i32 to index
      %swap3A_84 = tpu.vector_load %arg5[%swap3A_82, %swap3A_83] {strides = array<i32>} : memref<1x10240xf32, #tpu.memory_space<vmem>>, vector<16xf32>,
      tpu.vector_store %arg5[%swap3A_82, %swap3A_83], %broadcast_in_dim3A_1 {strides = array<i32>} : memref<1x10240xf32, #tpu.memory_space<vmem>>, vector<16xf32>,
      %scan3A_85 = arith.constant 6 : i32
      %scan3A_86 = arith.addi %scan3A_15, %scan3A_85 : i32
      %mul3A_87 = arith.constant 1 : i32
      %mul3A_88 = arith.muli %scan3A_86, %mul3A_87 : i32
      %add3A_89 = arith.constant 0 : i32
      %add3A_90 = arith.addi %add3A_89, %mul3A_88 : i32
      %mul3A_91 = arith.constant 16 : i32
      %mul3A_92 = arith.muli %add3A_90, %mul3A_91 : i32
      %swap3A_93 = arith.constant 0 : i32
      %swap3A_94 = arith.index_cast %swap3A_93 : i32 to index
      %swap3A_95 = arith.index_cast %mul3A_92 : i32 to index
      %swap3A_96 = tpu.vector_load %arg5[%swap3A_94, %swap3A_95] {strides = array<i32>} : memref<1x10240xf32, #tpu.memory_space<vmem>>, vector<16xf32>,
      tpu.vector_store %arg5[%swap3A_94, %swap3A_95], %broadcast_in_dim3A_1 {strides = array<i32>} : memref<1x10240xf32, #tpu.memory_space<vmem>>, vector<16xf32>,
      %scan3A_97 = arith.constant 7 : i32
      %scan3A_98 = arith.addi %scan3A_15, %scan3A_97 : i32
      %mul3A_99 = arith.constant 1 : i32
      %mul3A_100 = arith.muli %scan3A_98, %mul3A_99 : i32
      %add3A_101 = arith.constant 0 : i32
      %add3A_102 = arith.addi %add3A_101, %mul3A_100 : i32
      %mul3A_103 = arith.constant 16 : i32
      %mul3A_104 = arith.muli %add3A_102, %mul3A_103 : i32
      %swap3A_105 = arith.constant 0 : i32
      %swap3A_106 = arith.index_cast %swap3A_105 : i32 to index
      %swap3A_107 = arith.index_cast %mul3A_104 : i32 to index
      %swap3A_108 = tpu.vector_load %arg5[%swap3A_106, %swap3A_107] {strides = array<i32>} : memref<1x10240xf32, #tpu.memory_space<vmem>>, vector<16xf32>,
      tpu.vector_store %arg5[%swap3A_106, %swap3A_107], %broadcast_in_dim3A_1 {strides = array<i32>} : memref<1x10240xf32, #tpu.memory_space<vmem>>, vector<16xf32>,
    }
    %scan3A_5 = arith.constant 640 : i32
    %broadcast_in_dim3A_6 = arith.constant 1.000000e+00 : f32
    %broadcast_in_dim3A_7 = vector.broadcast %broadcast_in_dim3A_6 : f32 to vector<16xf32>
    %broadcast_in_dim3A_8 = arith.constant 0 : i32
    %broadcast_in_dim3A_9 = vector.broadcast %broadcast_in_dim3A_8 : i32 to vector<16xi32>
    %scan3A_10 = arith.constant 0 : i32
    %scan3A_11 = arith.constant 79 : i32
    %scan3A_12 = arith.addi %scan3A_10, %scan3A_11 : i32
    %scan3A_13 = arith.constant 1 : i32
    scf.for %scan3A_15 = %scan3A_10 to %scan3A_12 step %scan3A_13  : i32 {
      %mul3A_16 = arith.constant 1 : i32
      %mul3A_17 = arith.muli %scan3A_15, %mul3A_16 : i32
      %add3A_18 = arith.constant 0 : i32
      %add3A_19 = arith.addi %add3A_18, %mul3A_17 : i32
      %scan3A_20 = arith.constant 0 : i32
      %scan3A_21 = arith.constant 8 : i32
      %scan3A_22 = arith.addi %scan3A_20, %scan3A_21 : i32
      %scan3A_23 = arith.constant 1 : i32
      scf.for %scan3A_25 = %scan3A_20 to %scan3A_22 step %scan3A_23  : i32 {
        %mul3A_26 = arith.constant 1 : i32
        %mul3A_27 = arith.muli %scan3A_25, %mul3A_26 : i32
        %add3A_28 = arith.constant 0 : i32
        %add3A_29 = arith.addi %add3A_28, %mul3A_27 : i32
        %mul3A_30 = arith.constant 16 : i32
        %mul3A_31 = arith.muli %add3A_29, %mul3A_30 : i32
        %get3A = arith.index_cast %add3A_19 : i32 to index
        %get3A_32 = arith.index_cast %mul3A_31 : i32 to index
        %get3A_33 = tpu.vector_load %arg4[%get3A, %get3A_32] {strides = array<i32>} : memref<79x128xi32, #tpu.memory_space<vmem>>, vector<16xi32>,
        tpu.vector_store_idx %arg5[%broadcast_in_dim3A_9, %get3A_33], %broadcast_in_dim3A_7 {add = true} : memref<1x10240xf32, #tpu.memory_space<vmem>>[vector<16xi32>, vector<16xi32>], vector<16xf32>,
      }
      %scan3A_24 = arith.constant 8 : i32
    }
    %scan3A_14 = arith.constant 79 : i32
    "tpu.region"() ({
      %run_scoped3A = tpu.sem_alloc : memref<!tpu.dma_semaphore, #tpu.memory_space<semaphore_mem>>
      %dma_start3A = arith.constant 0 : i32
      %dma_start3A_15 = arith.constant 0 : i32
      %dma_start3A_16 = tpu.memref_slice %arg3[%add3A, %dma_start3A, %dma_start3A_15] : memref<32x1x10240xf32, #tpu.memory_space<hbm>> -> memref<1x1x10240xf32, #tpu.memory_space<hbm>>
      %dma_start3A_17 = tpu.memref_squeeze %dma_start3A_16 : memref<1x1x10240xf32, #tpu.memory_space<hbm>> -> memref<1x10240xf32, #tpu.memory_space<hbm>>
      %dma_start3A_18 = arith.constant 0 : i32
      %dma_start3A_19 = arith.constant 0 : i32
      %dma_start3A_20 = tpu.memref_slice %arg3[%add3A, %dma_start3A_18, %dma_start3A_19] : memref<32x1x10240xf32, #tpu.memory_space<hbm>> -> memref<1x1x10240xf32, #tpu.memory_space<hbm>>
      %dma_start3A_21 = tpu.memref_squeeze %dma_start3A_20 : memref<1x1x10240xf32, #tpu.memory_space<hbm>> -> memref<1x10240xf32, #tpu.memory_space<hbm>>
      tpu.enqueue_dma source(%arg5 : memref<1x10240xf32, #tpu.memory_space<vmem>>) target(%dma_start3A_21 : memref<1x10240xf32, #tpu.memory_space<hbm>>) target_semaphore(%run_scoped3A : memref<!tpu.dma_semaphore, #tpu.memory_space<semaphore_mem>>)
      %dma_wait3A = arith.constant 0 : i32
      %dma_wait3A_22 = arith.constant 0 : i32
      %dma_wait3A_23 = tpu.memref_slice %arg3[%add3A, %dma_wait3A, %dma_wait3A_22] : memref<32x1x10240xf32, #tpu.memory_space<hbm>> -> memref<1x1x10240xf32, #tpu.memory_space<hbm>>
      %dma_wait3A_24 = tpu.memref_squeeze %dma_wait3A_23 : memref<1x1x10240xf32, #tpu.memory_space<hbm>> -> memref<1x10240xf32, #tpu.memory_space<hbm>>
      %dma_wait3A_25 = arith.constant 0 : i32
      %dma_wait3A_26 = arith.constant 0 : i32
      %dma_wait3A_27 = tpu.memref_slice %arg3[%add3A, %dma_wait3A_25, %dma_wait3A_26] : memref<32x1x10240xf32, #tpu.memory_space<hbm>> -> memref<1x1x10240xf32, #tpu.memory_space<hbm>>
      %dma_wait3A_28 = tpu.memref_squeeze %dma_wait3A_27 : memref<1x1x10240xf32, #tpu.memory_space<hbm>> -> memref<1x10240xf32, #tpu.memory_space<hbm>>
      tpu.wait_dma2 semaphore(%run_scoped3A : memref<!tpu.dma_semaphore, #tpu.memory_space<semaphore_mem>>) src(%arg5 : memref<1x10240xf32, #tpu.memory_space<vmem>>) dst(%dma_wait3A_28 : memref<1x10240xf32, #tpu.memory_space<hbm>>)
      tpu.yield
    }) : () -> ()
    return
  }
}

#map = affine_map<(d0, d1) -> (0, 0)>
#map1 = affine_map<(d0, d1) -> (0, 0, 0)>
module attributes {stable_mosaic.version = 14 : i64} {
  func.func @_prop_body(%arg0: i32, %arg1: i32, %arg2: memref<10000x128xf32, #tpu.memory_space<hbm>>, %arg3: memref<16x105x128xi32, #tpu.memory_space<hbm>>, %arg4: memref<16x105x128xi32, #tpu.memory_space<hbm>>, %arg5: memref<16x53x128xi32, #tpu.memory_space<hbm>>, %arg6: memref<16x53x128xi32, #tpu.memory_space<hbm>>, %arg7: memref<2x10240x128xf32, #tpu.memory_space<hbm>>, %arg8: memref<105x128xi32, #tpu.memory_space<vmem>>, %arg9: memref<105x128xi32, #tpu.memory_space<vmem>>, %arg10: memref<128x128xf32, #tpu.memory_space<vmem>>, %arg11: memref<10240x128xf32, #tpu.memory_space<vmem_shared>>, %arg12: memref<!tpu.dma_semaphore, #tpu.memory_space<semaphore_mem>>) attributes {dimension_semantics = [#tpu.dimension_semantics<core_parallel>, #tpu.dimension_semantics<subcore_parallel>], iteration_bounds = array<i64: 2, 16>, scalar_prefetch = 0 : i64, scratch_operands = 5 : i64, tpu.core_type = #tpu.core_type<sc_vector_subcore>, window_params = [{transform_indices = #map}, {transform_indices = #map1}, {transform_indices = #map1}, {transform_indices = #map1}, {transform_indices = #map1}, {transform_indices = #map1}]} {
    %broadcast_in_dim3A = arith.constant 0.000000e+00 : f32
    %broadcast_in_dim3A_0 = vector.broadcast %broadcast_in_dim3A : f32 to vector<16xf32>
    %scan3A = arith.constant 0 : i32
    %scan3A_1 = arith.constant 128 : i32
    %scan3A_2 = arith.addi %scan3A, %scan3A_1 : i32
    %scan3A_3 = arith.constant 1 : i32
    scf.for %scan3A_23 = %scan3A to %scan3A_2 step %scan3A_3  : i32 {
      %mul3A = arith.constant 1 : i32
      %mul3A_24 = arith.muli %scan3A_23, %mul3A : i32
      %add3A = arith.constant 0 : i32
      %add3A_25 = arith.addi %add3A, %mul3A_24 : i32
      %scan3A_26 = arith.constant 0 : i32
      %mul3A_27 = arith.constant 1 : i32
      %mul3A_28 = arith.muli %scan3A_26, %mul3A_27 : i32
      %add3A_29 = arith.constant 0 : i32
      %add3A_30 = arith.addi %add3A_29, %mul3A_28 : i32
      %mul3A_31 = arith.constant 16 : i32
      %mul3A_32 = arith.muli %add3A_30, %mul3A_31 : i32
      %swap3A = arith.index_cast %add3A_25 : i32 to index
      %swap3A_33 = arith.index_cast %mul3A_32 : i32 to index
      %swap3A_34 = tpu.vector_load %arg10[%swap3A, %swap3A_33] {strides = array<i32>} : memref<128x128xf32, #tpu.memory_space<vmem>>, vector<16xf32>,
      tpu.vector_store %arg10[%swap3A, %swap3A_33], %broadcast_in_dim3A_0 {strides = array<i32>} : memref<128x128xf32, #tpu.memory_space<vmem>>, vector<16xf32>,
      %scan3A_35 = arith.constant 1 : i32
      %mul3A_36 = arith.constant 1 : i32
      %mul3A_37 = arith.muli %scan3A_35, %mul3A_36 : i32
      %add3A_38 = arith.constant 0 : i32
      %add3A_39 = arith.addi %add3A_38, %mul3A_37 : i32
      %mul3A_40 = arith.constant 16 : i32
      %mul3A_41 = arith.muli %add3A_39, %mul3A_40 : i32
      %swap3A_42 = arith.index_cast %add3A_25 : i32 to index
      %swap3A_43 = arith.index_cast %mul3A_41 : i32 to index
      %swap3A_44 = tpu.vector_load %arg10[%swap3A_42, %swap3A_43] {strides = array<i32>} : memref<128x128xf32, #tpu.memory_space<vmem>>, vector<16xf32>,
      tpu.vector_store %arg10[%swap3A_42, %swap3A_43], %broadcast_in_dim3A_0 {strides = array<i32>} : memref<128x128xf32, #tpu.memory_space<vmem>>, vector<16xf32>,
      %scan3A_45 = arith.constant 2 : i32
      %mul3A_46 = arith.constant 1 : i32
      %mul3A_47 = arith.muli %scan3A_45, %mul3A_46 : i32
      %add3A_48 = arith.constant 0 : i32
      %add3A_49 = arith.addi %add3A_48, %mul3A_47 : i32
      %mul3A_50 = arith.constant 16 : i32
      %mul3A_51 = arith.muli %add3A_49, %mul3A_50 : i32
      %swap3A_52 = arith.index_cast %add3A_25 : i32 to index
      %swap3A_53 = arith.index_cast %mul3A_51 : i32 to index
      %swap3A_54 = tpu.vector_load %arg10[%swap3A_52, %swap3A_53] {strides = array<i32>} : memref<128x128xf32, #tpu.memory_space<vmem>>, vector<16xf32>,
      tpu.vector_store %arg10[%swap3A_52, %swap3A_53], %broadcast_in_dim3A_0 {strides = array<i32>} : memref<128x128xf32, #tpu.memory_space<vmem>>, vector<16xf32>,
      %scan3A_55 = arith.constant 3 : i32
      %mul3A_56 = arith.constant 1 : i32
      %mul3A_57 = arith.muli %scan3A_55, %mul3A_56 : i32
      %add3A_58 = arith.constant 0 : i32
      %add3A_59 = arith.addi %add3A_58, %mul3A_57 : i32
      %mul3A_60 = arith.constant 16 : i32
      %mul3A_61 = arith.muli %add3A_59, %mul3A_60 : i32
      %swap3A_62 = arith.index_cast %add3A_25 : i32 to index
      %swap3A_63 = arith.index_cast %mul3A_61 : i32 to index
      %swap3A_64 = tpu.vector_load %arg10[%swap3A_62, %swap3A_63] {strides = array<i32>} : memref<128x128xf32, #tpu.memory_space<vmem>>, vector<16xf32>,
      tpu.vector_store %arg10[%swap3A_62, %swap3A_63], %broadcast_in_dim3A_0 {strides = array<i32>} : memref<128x128xf32, #tpu.memory_space<vmem>>, vector<16xf32>,
      %scan3A_65 = arith.constant 4 : i32
      %mul3A_66 = arith.constant 1 : i32
      %mul3A_67 = arith.muli %scan3A_65, %mul3A_66 : i32
      %add3A_68 = arith.constant 0 : i32
      %add3A_69 = arith.addi %add3A_68, %mul3A_67 : i32
      %mul3A_70 = arith.constant 16 : i32
      %mul3A_71 = arith.muli %add3A_69, %mul3A_70 : i32
      %swap3A_72 = arith.index_cast %add3A_25 : i32 to index
      %swap3A_73 = arith.index_cast %mul3A_71 : i32 to index
      %swap3A_74 = tpu.vector_load %arg10[%swap3A_72, %swap3A_73] {strides = array<i32>} : memref<128x128xf32, #tpu.memory_space<vmem>>, vector<16xf32>,
      tpu.vector_store %arg10[%swap3A_72, %swap3A_73], %broadcast_in_dim3A_0 {strides = array<i32>} : memref<128x128xf32, #tpu.memory_space<vmem>>, vector<16xf32>,
      %scan3A_75 = arith.constant 5 : i32
      %mul3A_76 = arith.constant 1 : i32
      %mul3A_77 = arith.muli %scan3A_75, %mul3A_76 : i32
      %add3A_78 = arith.constant 0 : i32
      %add3A_79 = arith.addi %add3A_78, %mul3A_77 : i32
      %mul3A_80 = arith.constant 16 : i32
      %mul3A_81 = arith.muli %add3A_79, %mul3A_80 : i32
      %swap3A_82 = arith.index_cast %add3A_25 : i32 to index
      %swap3A_83 = arith.index_cast %mul3A_81 : i32 to index
      %swap3A_84 = tpu.vector_load %arg10[%swap3A_82, %swap3A_83] {strides = array<i32>} : memref<128x128xf32, #tpu.memory_space<vmem>>, vector<16xf32>,
      tpu.vector_store %arg10[%swap3A_82, %swap3A_83], %broadcast_in_dim3A_0 {strides = array<i32>} : memref<128x128xf32, #tpu.memory_space<vmem>>, vector<16xf32>,
      %scan3A_85 = arith.constant 6 : i32
      %mul3A_86 = arith.constant 1 : i32
      %mul3A_87 = arith.muli %scan3A_85, %mul3A_86 : i32
      %add3A_88 = arith.constant 0 : i32
      %add3A_89 = arith.addi %add3A_88, %mul3A_87 : i32
      %mul3A_90 = arith.constant 16 : i32
      %mul3A_91 = arith.muli %add3A_89, %mul3A_90 : i32
      %swap3A_92 = arith.index_cast %add3A_25 : i32 to index
      %swap3A_93 = arith.index_cast %mul3A_91 : i32 to index
      %swap3A_94 = tpu.vector_load %arg10[%swap3A_92, %swap3A_93] {strides = array<i32>} : memref<128x128xf32, #tpu.memory_space<vmem>>, vector<16xf32>,
      tpu.vector_store %arg10[%swap3A_92, %swap3A_93], %broadcast_in_dim3A_0 {strides = array<i32>} : memref<128x128xf32, #tpu.memory_space<vmem>>, vector<16xf32>,
      %scan3A_95 = arith.constant 7 : i32
      %mul3A_96 = arith.constant 1 : i32
      %mul3A_97 = arith.muli %scan3A_95, %mul3A_96 : i32
      %add3A_98 = arith.constant 0 : i32
      %add3A_99 = arith.addi %add3A_98, %mul3A_97 : i32
      %mul3A_100 = arith.constant 16 : i32
      %mul3A_101 = arith.muli %add3A_99, %mul3A_100 : i32
      %swap3A_102 = arith.index_cast %add3A_25 : i32 to index
      %swap3A_103 = arith.index_cast %mul3A_101 : i32 to index
      %swap3A_104 = tpu.vector_load %arg10[%swap3A_102, %swap3A_103] {strides = array<i32>} : memref<128x128xf32, #tpu.memory_space<vmem>>, vector<16xf32>,
      tpu.vector_store %arg10[%swap3A_102, %swap3A_103], %broadcast_in_dim3A_0 {strides = array<i32>} : memref<128x128xf32, #tpu.memory_space<vmem>>, vector<16xf32>,
      %scan3A_105 = arith.constant 8 : i32
    }
    %scan3A_4 = arith.constant 128 : i32
    %scan3A_5 = arith.constant 0 : i32
    %scan3A_6 = arith.constant 5 : i32
    %scan3A_7 = arith.addi %scan3A_5, %scan3A_6 : i32
    %scan3A_8 = arith.constant 1 : i32
    scf.for %scan3A_23 = %scan3A_5 to %scan3A_7 step %scan3A_8  : i32 {
      %mul3A = arith.constant 1 : i32
      %mul3A_24 = arith.muli %scan3A_23, %mul3A : i32
      %add3A = arith.constant 0 : i32
      %add3A_25 = arith.addi %add3A, %mul3A_24 : i32
      %mul3A_26 = arith.constant 640 : i32
      %mul3A_27 = arith.muli %arg1, %mul3A_26 : i32
      %mul3A_28 = arith.constant 128 : i32
      %mul3A_29 = arith.muli %add3A_25, %mul3A_28 : i32
      %add3A_30 = arith.addi %mul3A_27, %mul3A_29 : i32
      "tpu.region"() ({
        %run_scoped3A = tpu.sem_alloc : memref<!tpu.dma_semaphore, #tpu.memory_space<semaphore_mem>>
        %dma_start3A = arith.constant 0 : i32
        %dma_start3A_31 = tpu.memref_slice %arg11[%add3A_30, %dma_start3A] : memref<10240x128xf32, #tpu.memory_space<vmem_shared>> -> memref<128x128xf32, #tpu.memory_space<vmem_shared>>
        %dma_start3A_32 = arith.constant 0 : i32
        %dma_start3A_33 = tpu.memref_slice %arg11[%add3A_30, %dma_start3A_32] : memref<10240x128xf32, #tpu.memory_space<vmem_shared>> -> memref<128x128xf32, #tpu.memory_space<vmem_shared>>
        tpu.enqueue_dma source(%arg10 : memref<128x128xf32, #tpu.memory_space<vmem>>) target(%dma_start3A_33 : memref<128x128xf32, #tpu.memory_space<vmem_shared>>) target_semaphore(%run_scoped3A : memref<!tpu.dma_semaphore, #tpu.memory_space<semaphore_mem>>)
        %dma_wait3A = arith.constant 0 : i32
        %dma_wait3A_34 = tpu.memref_slice %arg11[%add3A_30, %dma_wait3A] : memref<10240x128xf32, #tpu.memory_space<vmem_shared>> -> memref<128x128xf32, #tpu.memory_space<vmem_shared>>
        %dma_wait3A_35 = arith.constant 0 : i32
        %dma_wait3A_36 = tpu.memref_slice %arg11[%add3A_30, %dma_wait3A_35] : memref<10240x128xf32, #tpu.memory_space<vmem_shared>> -> memref<128x128xf32, #tpu.memory_space<vmem_shared>>
        tpu.wait_dma2 semaphore(%run_scoped3A : memref<!tpu.dma_semaphore, #tpu.memory_space<semaphore_mem>>) src(%arg10 : memref<128x128xf32, #tpu.memory_space<vmem>>) dst(%dma_wait3A_36 : memref<128x128xf32, #tpu.memory_space<vmem_shared>>)
        tpu.yield
      }) : () -> ()
    }
    %scan3A_9 = arith.constant 5 : i32
    %barrier3A = arith.constant 0 : index
    tpu.barrier barrier_id(%barrier3A)
    %eq3A = arith.constant 0 : i32
    %eq3A_10 = arith.cmpi eq, %arg0, %eq3A : i32
    %convert_element_type3A = arith.extui %eq3A_10 : i1 to i32
    %cond3A = arith.constant 0 : i32
    %cond3A_11 = arith.cmpi ne, %convert_element_type3A, %cond3A : i32
    scf.if %cond3A_11 {
      "tpu.region"() ({
        %run_scoped3A = tpu.sem_alloc : memref<!tpu.dma_semaphore, #tpu.memory_space<semaphore_mem>>
        %dma_start3A = arith.constant 0 : i32
        %dma_start3A_28 = arith.constant 0 : i32
        %dma_start3A_29 = tpu.memref_slice %arg3[%arg1, %dma_start3A, %dma_start3A_28] : memref<16x105x128xi32, #tpu.memory_space<hbm>> -> memref<1x105x128xi32, #tpu.memory_space<hbm>>
        %dma_start3A_30 = tpu.memref_squeeze %dma_start3A_29 : memref<1x105x128xi32, #tpu.memory_space<hbm>> -> memref<105x128xi32, #tpu.memory_space<hbm>>
        %dma_start3A_31 = arith.constant 0 : i32
        %dma_start3A_32 = arith.constant 0 : i32
        %dma_start3A_33 = tpu.memref_slice %arg3[%arg1, %dma_start3A_31, %dma_start3A_32] : memref<16x105x128xi32, #tpu.memory_space<hbm>> -> memref<1x105x128xi32, #tpu.memory_space<hbm>>
        %dma_start3A_34 = tpu.memref_squeeze %dma_start3A_33 : memref<1x105x128xi32, #tpu.memory_space<hbm>> -> memref<105x128xi32, #tpu.memory_space<hbm>>
        tpu.enqueue_dma source(%dma_start3A_34 : memref<105x128xi32, #tpu.memory_space<hbm>>) target(%arg8 : memref<105x128xi32, #tpu.memory_space<vmem>>) target_semaphore(%run_scoped3A : memref<!tpu.dma_semaphore, #tpu.memory_space<semaphore_mem>>)
        %dma_wait3A = arith.constant 0 : i32
        %dma_wait3A_35 = arith.constant 0 : i32
        %dma_wait3A_36 = tpu.memref_slice %arg3[%arg1, %dma_wait3A, %dma_wait3A_35] : memref<16x105x128xi32, #tpu.memory_space<hbm>> -> memref<1x105x128xi32, #tpu.memory_space<hbm>>
        %dma_wait3A_37 = tpu.memref_squeeze %dma_wait3A_36 : memref<1x105x128xi32, #tpu.memory_space<hbm>> -> memref<105x128xi32, #tpu.memory_space<hbm>>
        %dma_wait3A_38 = arith.constant 0 : i32
        %dma_wait3A_39 = arith.constant 0 : i32
        %dma_wait3A_40 = tpu.memref_slice %arg3[%arg1, %dma_wait3A_38, %dma_wait3A_39] : memref<16x105x128xi32, #tpu.memory_space<hbm>> -> memref<1x105x128xi32, #tpu.memory_space<hbm>>
        %dma_wait3A_41 = tpu.memref_squeeze %dma_wait3A_40 : memref<1x105x128xi32, #tpu.memory_space<hbm>> -> memref<105x128xi32, #tpu.memory_space<hbm>>
        tpu.wait_dma2 semaphore(%run_scoped3A : memref<!tpu.dma_semaphore, #tpu.memory_space<semaphore_mem>>) src(%dma_wait3A_41 : memref<105x128xi32, #tpu.memory_space<hbm>>) dst(%arg8 : memref<105x128xi32, #tpu.memory_space<vmem>>)
        tpu.yield
      }) : () -> ()
      "tpu.region"() ({
        %run_scoped3A = tpu.sem_alloc : memref<!tpu.dma_semaphore, #tpu.memory_space<semaphore_mem>>
        %dma_start3A = arith.constant 0 : i32
        %dma_start3A_28 = arith.constant 0 : i32
        %dma_start3A_29 = tpu.memref_slice %arg4[%arg1, %dma_start3A, %dma_start3A_28] : memref<16x105x128xi32, #tpu.memory_space<hbm>> -> memref<1x105x128xi32, #tpu.memory_space<hbm>>
        %dma_start3A_30 = tpu.memref_squeeze %dma_start3A_29 : memref<1x105x128xi32, #tpu.memory_space<hbm>> -> memref<105x128xi32, #tpu.memory_space<hbm>>
        %dma_start3A_31 = arith.constant 0 : i32
        %dma_start3A_32 = arith.constant 0 : i32
        %dma_start3A_33 = tpu.memref_slice %arg4[%arg1, %dma_start3A_31, %dma_start3A_32] : memref<16x105x128xi32, #tpu.memory_space<hbm>> -> memref<1x105x128xi32, #tpu.memory_space<hbm>>
        %dma_start3A_34 = tpu.memref_squeeze %dma_start3A_33 : memref<1x105x128xi32, #tpu.memory_space<hbm>> -> memref<105x128xi32, #tpu.memory_space<hbm>>
        tpu.enqueue_dma source(%dma_start3A_34 : memref<105x128xi32, #tpu.memory_space<hbm>>) target(%arg9 : memref<105x128xi32, #tpu.memory_space<vmem>>) target_semaphore(%run_scoped3A : memref<!tpu.dma_semaphore, #tpu.memory_space<semaphore_mem>>)
        %dma_wait3A = arith.constant 0 : i32
        %dma_wait3A_35 = arith.constant 0 : i32
        %dma_wait3A_36 = tpu.memref_slice %arg4[%arg1, %dma_wait3A, %dma_wait3A_35] : memref<16x105x128xi32, #tpu.memory_space<hbm>> -> memref<1x105x128xi32, #tpu.memory_space<hbm>>
        %dma_wait3A_37 = tpu.memref_squeeze %dma_wait3A_36 : memref<1x105x128xi32, #tpu.memory_space<hbm>> -> memref<105x128xi32, #tpu.memory_space<hbm>>
        %dma_wait3A_38 = arith.constant 0 : i32
        %dma_wait3A_39 = arith.constant 0 : i32
        %dma_wait3A_40 = tpu.memref_slice %arg4[%arg1, %dma_wait3A_38, %dma_wait3A_39] : memref<16x105x128xi32, #tpu.memory_space<hbm>> -> memref<1x105x128xi32, #tpu.memory_space<hbm>>
        %dma_wait3A_41 = tpu.memref_squeeze %dma_wait3A_40 : memref<1x105x128xi32, #tpu.memory_space<hbm>> -> memref<105x128xi32, #tpu.memory_space<hbm>>
        tpu.wait_dma2 semaphore(%run_scoped3A : memref<!tpu.dma_semaphore, #tpu.memory_space<semaphore_mem>>) src(%dma_wait3A_41 : memref<105x128xi32, #tpu.memory_space<hbm>>) dst(%arg9 : memref<105x128xi32, #tpu.memory_space<vmem>>)
        tpu.yield
      }) : () -> ()
      %scan3A_23 = arith.constant 0 : i32
      %scan3A_24 = arith.constant 105 : i32
      %scan3A_25 = arith.addi %scan3A_23, %scan3A_24 : i32
      %scan3A_26 = arith.constant 1 : i32
      scf.for %scan3A_28 = %scan3A_23 to %scan3A_25 step %scan3A_26  : i32 {
        %mul3A = arith.constant 1 : i32
        %mul3A_29 = arith.muli %scan3A_28, %mul3A : i32
        %add3A = arith.constant 0 : i32
        %add3A_30 = arith.addi %add3A, %mul3A_29 : i32
        %dma_start3A = arith.constant 0 : i32
        %dma_start3A_31 = tpu.memref_slice %arg8[%add3A_30, %dma_start3A] : memref<105x128xi32, #tpu.memory_space<vmem>> -> memref<1x128xi32, #tpu.memory_space<vmem>>
        %dma_start3A_32 = tpu.memref_squeeze %dma_start3A_31 : memref<1x128xi32, #tpu.memory_space<vmem>> -> memref<128xi32, #tpu.memory_space<vmem>>
        %dma_start3A_33 = arith.constant 0 : i32
        %dma_start3A_34 = arith.constant 0 : i32
        %dma_start3A_35 = tpu.memref_slice %arg2[%dma_start3A_33, %dma_start3A_34] : memref<10000x128xf32, #tpu.memory_space<hbm>> -> memref<10000x128xf32, #tpu.memory_space<hbm>>
        tpu.enqueue_indirect_dma source(%dma_start3A_35 : memref<10000x128xf32, #tpu.memory_space<hbm>>) target(%arg10 : memref<128x128xf32, #tpu.memory_space<vmem>>) offsets(%dma_start3A_32 : memref<128xi32, #tpu.memory_space<vmem>>) semaphore(%arg12 : memref<!tpu.dma_semaphore, #tpu.memory_space<semaphore_mem>>)
        %dma_wait3A = arith.constant 0 : i32
        %dma_wait3A_36 = tpu.memref_slice %arg8[%add3A_30, %dma_wait3A] : memref<105x128xi32, #tpu.memory_space<vmem>> -> memref<1x128xi32, #tpu.memory_space<vmem>>
        %dma_wait3A_37 = tpu.memref_squeeze %dma_wait3A_36 : memref<1x128xi32, #tpu.memory_space<vmem>> -> memref<128xi32, #tpu.memory_space<vmem>>
        %dma_wait3A_38 = arith.constant 0 : i32
        %dma_wait3A_39 = arith.constant 0 : i32
        %dma_wait3A_40 = tpu.memref_slice %arg2[%dma_wait3A_38, %dma_wait3A_39] : memref<10000x128xf32, #tpu.memory_space<hbm>> -> memref<10000x128xf32, #tpu.memory_space<hbm>>
        tpu.wait_indirect_dma semaphore(%arg12 : memref<!tpu.dma_semaphore, #tpu.memory_space<semaphore_mem>>) src(%dma_wait3A_40 : memref<10000x128xf32, #tpu.memory_space<hbm>>) dst(%arg10 : memref<128x128xf32, #tpu.memory_space<vmem>>)
        "tpu.region"() ({
          %run_scoped3A = tpu.sem_alloc : memref<!tpu.dma_semaphore, #tpu.memory_space<semaphore_mem>>
          %dma_start3A_41 = arith.constant 0 : i32
          %dma_start3A_42 = tpu.memref_slice %arg9[%add3A_30, %dma_start3A_41] : memref<105x128xi32, #tpu.memory_space<vmem>> -> memref<1x128xi32, #tpu.memory_space<vmem>>
          %dma_start3A_43 = tpu.memref_squeeze %dma_start3A_42 : memref<1x128xi32, #tpu.memory_space<vmem>> -> memref<128xi32, #tpu.memory_space<vmem>>
          %dma_start3A_44 = arith.constant 0 : i32
          %dma_start3A_45 = arith.constant 0 : i32
          %dma_start3A_46 = tpu.memref_slice %arg11[%dma_start3A_44, %dma_start3A_45] : memref<10240x128xf32, #tpu.memory_space<vmem_shared>> -> memref<10240x128xf32, #tpu.memory_space<vmem_shared>>
          tpu.enqueue_indirect_dma source(%arg10 : memref<128x128xf32, #tpu.memory_space<vmem>>) target(%dma_start3A_46 : memref<10240x128xf32, #tpu.memory_space<vmem_shared>>) offsets(%dma_start3A_43 : memref<128xi32, #tpu.memory_space<vmem>>) semaphore(%run_scoped3A : memref<!tpu.dma_semaphore, #tpu.memory_space<semaphore_mem>>) {add = true}
          %dma_wait3A_47 = arith.constant 0 : i32
          %dma_wait3A_48 = tpu.memref_slice %arg9[%add3A_30, %dma_wait3A_47] : memref<105x128xi32, #tpu.memory_space<vmem>> -> memref<1x128xi32, #tpu.memory_space<vmem>>
          %dma_wait3A_49 = tpu.memref_squeeze %dma_wait3A_48 : memref<1x128xi32, #tpu.memory_space<vmem>> -> memref<128xi32, #tpu.memory_space<vmem>>
          %dma_wait3A_50 = arith.constant 0 : i32
          %dma_wait3A_51 = arith.constant 0 : i32
          %dma_wait3A_52 = tpu.memref_slice %arg11[%dma_wait3A_50, %dma_wait3A_51] : memref<10240x128xf32, #tpu.memory_space<vmem_shared>> -> memref<10240x128xf32, #tpu.memory_space<vmem_shared>>
          tpu.wait_indirect_dma semaphore(%run_scoped3A : memref<!tpu.dma_semaphore, #tpu.memory_space<semaphore_mem>>) src(%arg10 : memref<128x128xf32, #tpu.memory_space<vmem>>) dst(%dma_wait3A_52 : memref<10240x128xf32, #tpu.memory_space<vmem_shared>>)
          tpu.yield
        }) : () -> ()
      }
      %scan3A_27 = arith.constant 105 : i32
    } else {
    }
    %eq3A_12 = arith.constant 1 : i32
    %eq3A_13 = arith.cmpi eq, %arg0, %eq3A_12 : i32
    %convert_element_type3A_14 = arith.extui %eq3A_13 : i1 to i32
    %cond3A_15 = arith.constant 0 : i32
    %cond3A_16 = arith.cmpi ne, %convert_element_type3A_14, %cond3A_15 : i32
    scf.if %cond3A_16 {
      "tpu.region"() ({
        %run_scoped3A = tpu.sem_alloc : memref<!tpu.dma_semaphore, #tpu.memory_space<semaphore_mem>>
        %dma_start3A = arith.constant 0 : i32
        %dma_start3A_28 = arith.constant 0 : i32
        %dma_start3A_29 = tpu.memref_slice %arg8[%dma_start3A, %dma_start3A_28] : memref<105x128xi32, #tpu.memory_space<vmem>> -> memref<53x128xi32, #tpu.memory_space<vmem>>
        %dma_start3A_30 = arith.constant 0 : i32
        %dma_start3A_31 = arith.constant 0 : i32
        %dma_start3A_32 = tpu.memref_slice %arg5[%arg1, %dma_start3A_30, %dma_start3A_31] : memref<16x53x128xi32, #tpu.memory_space<hbm>> -> memref<1x53x128xi32, #tpu.memory_space<hbm>>
        %dma_start3A_33 = tpu.memref_squeeze %dma_start3A_32 : memref<1x53x128xi32, #tpu.memory_space<hbm>> -> memref<53x128xi32, #tpu.memory_space<hbm>>
        %dma_start3A_34 = arith.constant 0 : i32
        %dma_start3A_35 = arith.constant 0 : i32
        %dma_start3A_36 = tpu.memref_slice %arg8[%dma_start3A_34, %dma_start3A_35] : memref<105x128xi32, #tpu.memory_space<vmem>> -> memref<53x128xi32, #tpu.memory_space<vmem>>
        %dma_start3A_37 = arith.constant 0 : i32
        %dma_start3A_38 = arith.constant 0 : i32
        %dma_start3A_39 = tpu.memref_slice %arg5[%arg1, %dma_start3A_37, %dma_start3A_38] : memref<16x53x128xi32, #tpu.memory_space<hbm>> -> memref<1x53x128xi32, #tpu.memory_space<hbm>>
        %dma_start3A_40 = tpu.memref_squeeze %dma_start3A_39 : memref<1x53x128xi32, #tpu.memory_space<hbm>> -> memref<53x128xi32, #tpu.memory_space<hbm>>
        tpu.enqueue_dma source(%dma_start3A_40 : memref<53x128xi32, #tpu.memory_space<hbm>>) target(%dma_start3A_36 : memref<53x128xi32, #tpu.memory_space<vmem>>) target_semaphore(%run_scoped3A : memref<!tpu.dma_semaphore, #tpu.memory_space<semaphore_mem>>)
        %dma_wait3A = arith.constant 0 : i32
        %dma_wait3A_41 = arith.constant 0 : i32
        %dma_wait3A_42 = tpu.memref_slice %arg8[%dma_wait3A, %dma_wait3A_41] : memref<105x128xi32, #tpu.memory_space<vmem>> -> memref<53x128xi32, #tpu.memory_space<vmem>>
        %dma_wait3A_43 = arith.constant 0 : i32
        %dma_wait3A_44 = arith.constant 0 : i32
        %dma_wait3A_45 = tpu.memref_slice %arg5[%arg1, %dma_wait3A_43, %dma_wait3A_44] : memref<16x53x128xi32, #tpu.memory_space<hbm>> -> memref<1x53x128xi32, #tpu.memory_space<hbm>>
        %dma_wait3A_46 = tpu.memref_squeeze %dma_wait3A_45 : memref<1x53x128xi32, #tpu.memory_space<hbm>> -> memref<53x128xi32, #tpu.memory_space<hbm>>
        %dma_wait3A_47 = arith.constant 0 : i32
        %dma_wait3A_48 = arith.constant 0 : i32
        %dma_wait3A_49 = tpu.memref_slice %arg8[%dma_wait3A_47, %dma_wait3A_48] : memref<105x128xi32, #tpu.memory_space<vmem>> -> memref<53x128xi32, #tpu.memory_space<vmem>>
        %dma_wait3A_50 = arith.constant 0 : i32
        %dma_wait3A_51 = arith.constant 0 : i32
        %dma_wait3A_52 = tpu.memref_slice %arg5[%arg1, %dma_wait3A_50, %dma_wait3A_51] : memref<16x53x128xi32, #tpu.memory_space<hbm>> -> memref<1x53x128xi32, #tpu.memory_space<hbm>>
        %dma_wait3A_53 = tpu.memref_squeeze %dma_wait3A_52 : memref<1x53x128xi32, #tpu.memory_space<hbm>> -> memref<53x128xi32, #tpu.memory_space<hbm>>
        tpu.wait_dma2 semaphore(%run_scoped3A : memref<!tpu.dma_semaphore, #tpu.memory_space<semaphore_mem>>) src(%dma_wait3A_53 : memref<53x128xi32, #tpu.memory_space<hbm>>) dst(%dma_wait3A_49 : memref<53x128xi32, #tpu.memory_space<vmem>>)
        tpu.yield
      }) : () -> ()
      "tpu.region"() ({
        %run_scoped3A = tpu.sem_alloc : memref<!tpu.dma_semaphore, #tpu.memory_space<semaphore_mem>>
        %dma_start3A = arith.constant 0 : i32
        %dma_start3A_28 = arith.constant 0 : i32
        %dma_start3A_29 = tpu.memref_slice %arg9[%dma_start3A, %dma_start3A_28] : memref<105x128xi32, #tpu.memory_space<vmem>> -> memref<53x128xi32, #tpu.memory_space<vmem>>
        %dma_start3A_30 = arith.constant 0 : i32
        %dma_start3A_31 = arith.constant 0 : i32
        %dma_start3A_32 = tpu.memref_slice %arg6[%arg1, %dma_start3A_30, %dma_start3A_31] : memref<16x53x128xi32, #tpu.memory_space<hbm>> -> memref<1x53x128xi32, #tpu.memory_space<hbm>>
        %dma_start3A_33 = tpu.memref_squeeze %dma_start3A_32 : memref<1x53x128xi32, #tpu.memory_space<hbm>> -> memref<53x128xi32, #tpu.memory_space<hbm>>
        %dma_start3A_34 = arith.constant 0 : i32
        %dma_start3A_35 = arith.constant 0 : i32
        %dma_start3A_36 = tpu.memref_slice %arg9[%dma_start3A_34, %dma_start3A_35] : memref<105x128xi32, #tpu.memory_space<vmem>> -> memref<53x128xi32, #tpu.memory_space<vmem>>
        %dma_start3A_37 = arith.constant 0 : i32
        %dma_start3A_38 = arith.constant 0 : i32
        %dma_start3A_39 = tpu.memref_slice %arg6[%arg1, %dma_start3A_37, %dma_start3A_38] : memref<16x53x128xi32, #tpu.memory_space<hbm>> -> memref<1x53x128xi32, #tpu.memory_space<hbm>>
        %dma_start3A_40 = tpu.memref_squeeze %dma_start3A_39 : memref<1x53x128xi32, #tpu.memory_space<hbm>> -> memref<53x128xi32, #tpu.memory_space<hbm>>
        tpu.enqueue_dma source(%dma_start3A_40 : memref<53x128xi32, #tpu.memory_space<hbm>>) target(%dma_start3A_36 : memref<53x128xi32, #tpu.memory_space<vmem>>) target_semaphore(%run_scoped3A : memref<!tpu.dma_semaphore, #tpu.memory_space<semaphore_mem>>)
        %dma_wait3A = arith.constant 0 : i32
        %dma_wait3A_41 = arith.constant 0 : i32
        %dma_wait3A_42 = tpu.memref_slice %arg9[%dma_wait3A, %dma_wait3A_41] : memref<105x128xi32, #tpu.memory_space<vmem>> -> memref<53x128xi32, #tpu.memory_space<vmem>>
        %dma_wait3A_43 = arith.constant 0 : i32
        %dma_wait3A_44 = arith.constant 0 : i32
        %dma_wait3A_45 = tpu.memref_slice %arg6[%arg1, %dma_wait3A_43, %dma_wait3A_44] : memref<16x53x128xi32, #tpu.memory_space<hbm>> -> memref<1x53x128xi32, #tpu.memory_space<hbm>>
        %dma_wait3A_46 = tpu.memref_squeeze %dma_wait3A_45 : memref<1x53x128xi32, #tpu.memory_space<hbm>> -> memref<53x128xi32, #tpu.memory_space<hbm>>
        %dma_wait3A_47 = arith.constant 0 : i32
        %dma_wait3A_48 = arith.constant 0 : i32
        %dma_wait3A_49 = tpu.memref_slice %arg9[%dma_wait3A_47, %dma_wait3A_48] : memref<105x128xi32, #tpu.memory_space<vmem>> -> memref<53x128xi32, #tpu.memory_space<vmem>>
        %dma_wait3A_50 = arith.constant 0 : i32
        %dma_wait3A_51 = arith.constant 0 : i32
        %dma_wait3A_52 = tpu.memref_slice %arg6[%arg1, %dma_wait3A_50, %dma_wait3A_51] : memref<16x53x128xi32, #tpu.memory_space<hbm>> -> memref<1x53x128xi32, #tpu.memory_space<hbm>>
        %dma_wait3A_53 = tpu.memref_squeeze %dma_wait3A_52 : memref<1x53x128xi32, #tpu.memory_space<hbm>> -> memref<53x128xi32, #tpu.memory_space<hbm>>
        tpu.wait_dma2 semaphore(%run_scoped3A : memref<!tpu.dma_semaphore, #tpu.memory_space<semaphore_mem>>) src(%dma_wait3A_53 : memref<53x128xi32, #tpu.memory_space<hbm>>) dst(%dma_wait3A_49 : memref<53x128xi32, #tpu.memory_space<vmem>>)
        tpu.yield
      }) : () -> ()
      %scan3A_23 = arith.constant 0 : i32
      %scan3A_24 = arith.constant 53 : i32
      %scan3A_25 = arith.addi %scan3A_23, %scan3A_24 : i32
      %scan3A_26 = arith.constant 1 : i32
      scf.for %scan3A_28 = %scan3A_23 to %scan3A_25 step %scan3A_26  : i32 {
        %mul3A = arith.constant 1 : i32
        %mul3A_29 = arith.muli %scan3A_28, %mul3A : i32
        %add3A = arith.constant 0 : i32
        %add3A_30 = arith.addi %add3A, %mul3A_29 : i32
        %dma_start3A = arith.constant 0 : i32
        %dma_start3A_31 = tpu.memref_slice %arg8[%add3A_30, %dma_start3A] : memref<105x128xi32, #tpu.memory_space<vmem>> -> memref<1x128xi32, #tpu.memory_space<vmem>>
        %dma_start3A_32 = tpu.memref_squeeze %dma_start3A_31 : memref<1x128xi32, #tpu.memory_space<vmem>> -> memref<128xi32, #tpu.memory_space<vmem>>
        %dma_start3A_33 = arith.constant 0 : i32
        %dma_start3A_34 = arith.constant 0 : i32
        %dma_start3A_35 = tpu.memref_slice %arg2[%dma_start3A_33, %dma_start3A_34] : memref<10000x128xf32, #tpu.memory_space<hbm>> -> memref<10000x128xf32, #tpu.memory_space<hbm>>
        tpu.enqueue_indirect_dma source(%dma_start3A_35 : memref<10000x128xf32, #tpu.memory_space<hbm>>) target(%arg10 : memref<128x128xf32, #tpu.memory_space<vmem>>) offsets(%dma_start3A_32 : memref<128xi32, #tpu.memory_space<vmem>>) semaphore(%arg12 : memref<!tpu.dma_semaphore, #tpu.memory_space<semaphore_mem>>)
        %dma_wait3A = arith.constant 0 : i32
        %dma_wait3A_36 = tpu.memref_slice %arg8[%add3A_30, %dma_wait3A] : memref<105x128xi32, #tpu.memory_space<vmem>> -> memref<1x128xi32, #tpu.memory_space<vmem>>
        %dma_wait3A_37 = tpu.memref_squeeze %dma_wait3A_36 : memref<1x128xi32, #tpu.memory_space<vmem>> -> memref<128xi32, #tpu.memory_space<vmem>>
        %dma_wait3A_38 = arith.constant 0 : i32
        %dma_wait3A_39 = arith.constant 0 : i32
        %dma_wait3A_40 = tpu.memref_slice %arg2[%dma_wait3A_38, %dma_wait3A_39] : memref<10000x128xf32, #tpu.memory_space<hbm>> -> memref<10000x128xf32, #tpu.memory_space<hbm>>
        tpu.wait_indirect_dma semaphore(%arg12 : memref<!tpu.dma_semaphore, #tpu.memory_space<semaphore_mem>>) src(%dma_wait3A_40 : memref<10000x128xf32, #tpu.memory_space<hbm>>) dst(%arg10 : memref<128x128xf32, #tpu.memory_space<vmem>>)
        "tpu.region"() ({
          %run_scoped3A = tpu.sem_alloc : memref<!tpu.dma_semaphore, #tpu.memory_space<semaphore_mem>>
          %dma_start3A_41 = arith.constant 0 : i32
          %dma_start3A_42 = tpu.memref_slice %arg9[%add3A_30, %dma_start3A_41] : memref<105x128xi32, #tpu.memory_space<vmem>> -> memref<1x128xi32, #tpu.memory_space<vmem>>
          %dma_start3A_43 = tpu.memref_squeeze %dma_start3A_42 : memref<1x128xi32, #tpu.memory_space<vmem>> -> memref<128xi32, #tpu.memory_space<vmem>>
          %dma_start3A_44 = arith.constant 0 : i32
          %dma_start3A_45 = arith.constant 0 : i32
          %dma_start3A_46 = tpu.memref_slice %arg11[%dma_start3A_44, %dma_start3A_45] : memref<10240x128xf32, #tpu.memory_space<vmem_shared>> -> memref<10240x128xf32, #tpu.memory_space<vmem_shared>>
          tpu.enqueue_indirect_dma source(%arg10 : memref<128x128xf32, #tpu.memory_space<vmem>>) target(%dma_start3A_46 : memref<10240x128xf32, #tpu.memory_space<vmem_shared>>) offsets(%dma_start3A_43 : memref<128xi32, #tpu.memory_space<vmem>>) semaphore(%run_scoped3A : memref<!tpu.dma_semaphore, #tpu.memory_space<semaphore_mem>>) {add = true}
          %dma_wait3A_47 = arith.constant 0 : i32
          %dma_wait3A_48 = tpu.memref_slice %arg9[%add3A_30, %dma_wait3A_47] : memref<105x128xi32, #tpu.memory_space<vmem>> -> memref<1x128xi32, #tpu.memory_space<vmem>>
          %dma_wait3A_49 = tpu.memref_squeeze %dma_wait3A_48 : memref<1x128xi32, #tpu.memory_space<vmem>> -> memref<128xi32, #tpu.memory_space<vmem>>
          %dma_wait3A_50 = arith.constant 0 : i32
          %dma_wait3A_51 = arith.constant 0 : i32
          %dma_wait3A_52 = tpu.memref_slice %arg11[%dma_wait3A_50, %dma_wait3A_51] : memref<10240x128xf32, #tpu.memory_space<vmem_shared>> -> memref<10240x128xf32, #tpu.memory_space<vmem_shared>>
          tpu.wait_indirect_dma semaphore(%run_scoped3A : memref<!tpu.dma_semaphore, #tpu.memory_space<semaphore_mem>>) src(%arg10 : memref<128x128xf32, #tpu.memory_space<vmem>>) dst(%dma_wait3A_52 : memref<10240x128xf32, #tpu.memory_space<vmem_shared>>)
          tpu.yield
        }) : () -> ()
      }
      %scan3A_27 = arith.constant 53 : i32
    } else {
    }
    %barrier3A_17 = arith.constant 0 : index
    tpu.barrier barrier_id(%barrier3A_17)
    %scan3A_18 = arith.constant 0 : i32
    %scan3A_19 = arith.constant 5 : i32
    %scan3A_20 = arith.addi %scan3A_18, %scan3A_19 : i32
    %scan3A_21 = arith.constant 1 : i32
    scf.for %scan3A_23 = %scan3A_18 to %scan3A_20 step %scan3A_21  : i32 {
      %mul3A = arith.constant 1 : i32
      %mul3A_24 = arith.muli %scan3A_23, %mul3A : i32
      %add3A = arith.constant 0 : i32
      %add3A_25 = arith.addi %add3A, %mul3A_24 : i32
      %mul3A_26 = arith.constant 640 : i32
      %mul3A_27 = arith.muli %arg1, %mul3A_26 : i32
      %mul3A_28 = arith.constant 128 : i32
      %mul3A_29 = arith.muli %add3A_25, %mul3A_28 : i32
      %add3A_30 = arith.addi %mul3A_27, %mul3A_29 : i32
      "tpu.region"() ({
        %run_scoped3A = tpu.sem_alloc : memref<!tpu.dma_semaphore, #tpu.memory_space<semaphore_mem>>
        %dma_start3A = arith.constant 0 : i32
        %dma_start3A_36 = tpu.memref_slice %arg11[%add3A_30, %dma_start3A] : memref<10240x128xf32, #tpu.memory_space<vmem_shared>> -> memref<128x128xf32, #tpu.memory_space<vmem_shared>>
        %dma_start3A_37 = arith.constant 0 : i32
        %dma_start3A_38 = tpu.memref_slice %arg11[%add3A_30, %dma_start3A_37] : memref<10240x128xf32, #tpu.memory_space<vmem_shared>> -> memref<128x128xf32, #tpu.memory_space<vmem_shared>>
        tpu.enqueue_dma source(%dma_start3A_38 : memref<128x128xf32, #tpu.memory_space<vmem_shared>>) target(%arg10 : memref<128x128xf32, #tpu.memory_space<vmem>>) target_semaphore(%run_scoped3A : memref<!tpu.dma_semaphore, #tpu.memory_space<semaphore_mem>>)
        %dma_wait3A = arith.constant 0 : i32
        %dma_wait3A_39 = tpu.memref_slice %arg11[%add3A_30, %dma_wait3A] : memref<10240x128xf32, #tpu.memory_space<vmem_shared>> -> memref<128x128xf32, #tpu.memory_space<vmem_shared>>
        %dma_wait3A_40 = arith.constant 0 : i32
        %dma_wait3A_41 = tpu.memref_slice %arg11[%add3A_30, %dma_wait3A_40] : memref<10240x128xf32, #tpu.memory_space<vmem_shared>> -> memref<128x128xf32, #tpu.memory_space<vmem_shared>>
        tpu.wait_dma2 semaphore(%run_scoped3A : memref<!tpu.dma_semaphore, #tpu.memory_space<semaphore_mem>>) src(%dma_wait3A_41 : memref<128x128xf32, #tpu.memory_space<vmem_shared>>) dst(%arg10 : memref<128x128xf32, #tpu.memory_space<vmem>>)
        tpu.yield
      }) : () -> ()
      %mul3A_31 = arith.constant 640 : i32
      %mul3A_32 = arith.muli %arg1, %mul3A_31 : i32
      %mul3A_33 = arith.constant 128 : i32
      %mul3A_34 = arith.muli %add3A_25, %mul3A_33 : i32
      %add3A_35 = arith.addi %mul3A_32, %mul3A_34 : i32
      "tpu.region"() ({
        %run_scoped3A = tpu.sem_alloc : memref<!tpu.dma_semaphore, #tpu.memory_space<semaphore_mem>>
        %dma_start3A = arith.constant 0 : i32
        %dma_start3A_36 = tpu.memref_slice %arg7[%arg0, %add3A_35, %dma_start3A] : memref<2x10240x128xf32, #tpu.memory_space<hbm>> -> memref<1x128x128xf32, #tpu.memory_space<hbm>>
        %dma_start3A_37 = tpu.memref_squeeze %dma_start3A_36 : memref<1x128x128xf32, #tpu.memory_space<hbm>> -> memref<128x128xf32, #tpu.memory_space<hbm>>
        %dma_start3A_38 = arith.constant 0 : i32
        %dma_start3A_39 = tpu.memref_slice %arg7[%arg0, %add3A_35, %dma_start3A_38] : memref<2x10240x128xf32, #tpu.memory_space<hbm>> -> memref<1x128x128xf32, #tpu.memory_space<hbm>>
        %dma_start3A_40 = tpu.memref_squeeze %dma_start3A_39 : memref<1x128x128xf32, #tpu.memory_space<hbm>> -> memref<128x128xf32, #tpu.memory_space<hbm>>
        tpu.enqueue_dma source(%arg10 : memref<128x128xf32, #tpu.memory_space<vmem>>) target(%dma_start3A_40 : memref<128x128xf32, #tpu.memory_space<hbm>>) target_semaphore(%run_scoped3A : memref<!tpu.dma_semaphore, #tpu.memory_space<semaphore_mem>>)
        %dma_wait3A = arith.constant 0 : i32
        %dma_wait3A_41 = tpu.memref_slice %arg7[%arg0, %add3A_35, %dma_wait3A] : memref<2x10240x128xf32, #tpu.memory_space<hbm>> -> memref<1x128x128xf32, #tpu.memory_space<hbm>>
        %dma_wait3A_42 = tpu.memref_squeeze %dma_wait3A_41 : memref<1x128x128xf32, #tpu.memory_space<hbm>> -> memref<128x128xf32, #tpu.memory_space<hbm>>
        %dma_wait3A_43 = arith.constant 0 : i32
        %dma_wait3A_44 = tpu.memref_slice %arg7[%arg0, %add3A_35, %dma_wait3A_43] : memref<2x10240x128xf32, #tpu.memory_space<hbm>> -> memref<1x128x128xf32, #tpu.memory_space<hbm>>
        %dma_wait3A_45 = tpu.memref_squeeze %dma_wait3A_44 : memref<1x128x128xf32, #tpu.memory_space<hbm>> -> memref<128x128xf32, #tpu.memory_space<hbm>>
        tpu.wait_dma2 semaphore(%run_scoped3A : memref<!tpu.dma_semaphore, #tpu.memory_space<semaphore_mem>>) src(%arg10 : memref<128x128xf32, #tpu.memory_space<vmem>>) dst(%dma_wait3A_45 : memref<128x128xf32, #tpu.memory_space<hbm>>)
        tpu.yield
      }) : () -> ()
    }
    %scan3A_22 = arith.constant 5 : i32
    return
  }
}

module attributes {stable_mosaic.version = 14 : i64} {
  func.func @_scale_body(%arg0: i32, %arg1: memref<1000x32xf32, #tpu.memory_space<vmem>>, %arg2: memref<1000x128xf32, #tpu.memory_space<vmem>>, %arg3: memref<1000x128xf32, #tpu.memory_space<vmem>>) attributes {dimension_semantics = [#tpu.dimension_semantics<arbitrary>], iteration_bounds = array<i64: 10>, scalar_prefetch = 0 : i64, scratch_operands = 0 : i64, tpu.core_type = #tpu.core_type<tc>, window_params = [{transform_indices = @transform_0, window_bounds = array<i64: 1000, 32>}, {transform_indices = @transform_1, window_bounds = array<i64: 1000, 128>}, {transform_indices = @transform_2, window_bounds = array<i64: 1000, 128>}]} {
    %get3A = arith.constant 0 : index
    %get3A_0 = arith.constant 0 : index
    %get3A_1 = vector.load %arg1[%get3A, %get3A_0] : memref<1000x32xf32, #tpu.memory_space<vmem>>, vector<1000x32xf32>
    %reduce_sum3A = arith.constant dense<0.000000e+00> : vector<1000xf32>
    %reduce_sum3A_2 = vector.multi_reduction <add>, %get3A_1, %reduce_sum3A [1] : vector<1000x32xf32> to vector<1000xf32>
    %broadcast_in_dim3A = vector.shape_cast %reduce_sum3A_2 : vector<1000xf32> to vector<1000x1xf32>
    %add3A = arith.constant 1.000000e+00 : f32
    %add3A_3 = vector.broadcast %add3A : f32 to vector<1000x1xf32>
    %add3A_4 = arith.addf %broadcast_in_dim3A, %add3A_3 : vector<1000x1xf32>
    %get3A_5 = arith.constant 0 : index
    %get3A_6 = arith.constant 0 : index
    %get3A_7 = vector.load %arg2[%get3A_5, %get3A_6] : memref<1000x128xf32, #tpu.memory_space<vmem>>, vector<1000x128xf32>
    %rsqrt3A = math.rsqrt %add3A_4 : vector<1000x1xf32>
    %mul3A = vector.broadcast %rsqrt3A : vector<1000x1xf32> to vector<1000x128xf32>
    %mul3A_8 = arith.mulf %get3A_7, %mul3A : vector<1000x128xf32>
    %swap3A = arith.constant 0 : index
    %swap3A_9 = arith.constant 0 : index
    %swap3A_10 = vector.load %arg3[%swap3A, %swap3A_9] : memref<1000x128xf32, #tpu.memory_space<vmem>>, vector<1000x128xf32>
    tpu.vector_store %arg3[%swap3A, %swap3A_9], %mul3A_8 {strides = array<i32>} : memref<1000x128xf32, #tpu.memory_space<vmem>>, vector<1000x128xf32>,
    return
  }
  func.func @transform_0(%arg0: i32) -> (i32, i32) {
    %c0_i32 = arith.constant 0 : i32
    %c0_i32_0 = arith.constant 0 : i32
    return %arg0, %c0_i32 : i32, i32
  }
  func.func @transform_1(%arg0: i32) -> (i32, i32) {
    %c0_i32 = arith.constant 0 : i32
    %c0_i32_0 = arith.constant 0 : i32
    return %arg0, %c0_i32 : i32, i32
  }
  func.func @transform_2(%arg0: i32) -> (i32, i32) {
    %c0_i32 = arith.constant 0 : i32
    %c0_i32_0 = arith.constant 0 : i32
    return %arg0, %c0_i32 : i32, i32
  }
}

module attributes {stable_mosaic.version = 14 : i64} {
  func.func @_cell_body(%arg0: i32, %arg1: memref<1000x32xf32, #tpu.memory_space<vmem>>, %arg2: memref<2x1000x128xf32, #tpu.memory_space<vmem>>, %arg3: memref<1000x128xf32, #tpu.memory_space<vmem>>, %arg4: memref<128x128xf32, #tpu.memory_space<vmem>>, %arg5: memref<1x128xf32, #tpu.memory_space<vmem>>, %arg6: memref<128x128xf32, #tpu.memory_space<vmem>>, %arg7: memref<1x128xf32, #tpu.memory_space<vmem>>, %arg8: memref<128x128xf32, #tpu.memory_space<vmem>>, %arg9: memref<1x128xf32, #tpu.memory_space<vmem>>, %arg10: memref<128x128xf32, #tpu.memory_space<vmem>>, %arg11: memref<1x128xf32, #tpu.memory_space<vmem>>, %arg12: memref<1000x128xf32, #tpu.memory_space<vmem>>, %arg13: memref<1000x128xf32, #tpu.memory_space<vmem>>) attributes {dimension_semantics = [#tpu.dimension_semantics<arbitrary>], iteration_bounds = array<i64: 10>, scalar_prefetch = 0 : i64, scratch_operands = 0 : i64, tpu.core_type = #tpu.core_type<tc>, window_params = [{transform_indices = @transform_0, window_bounds = array<i64: 1000, 32>}, {transform_indices = @transform_1, window_bounds = array<i64: 2, 1000, 128>}, {transform_indices = @transform_2, window_bounds = array<i64: 1000, 128>}, {pipeline_mode = #tpu.pipeline_mode<synchronous>, transform_indices = @transform_3, window_bounds = array<i64: 128, 128>}, {pipeline_mode = #tpu.pipeline_mode<synchronous>, transform_indices = @transform_4, window_bounds = array<i64: 1, 128>}, {pipeline_mode = #tpu.pipeline_mode<synchronous>, transform_indices = @transform_5, window_bounds = array<i64: 128, 128>}, {pipeline_mode = #tpu.pipeline_mode<synchronous>, transform_indices = @transform_6, window_bounds = array<i64: 1, 128>}, {pipeline_mode = #tpu.pipeline_mode<synchronous>, transform_indices = @transform_7, window_bounds = array<i64: 128, 128>}, {pipeline_mode = #tpu.pipeline_mode<synchronous>, transform_indices = @transform_8, window_bounds = array<i64: 1, 128>}, {pipeline_mode = #tpu.pipeline_mode<synchronous>, transform_indices = @transform_9, window_bounds = array<i64: 128, 128>}, {pipeline_mode = #tpu.pipeline_mode<synchronous>, transform_indices = @transform_10, window_bounds = array<i64: 1, 128>}, {transform_indices = @transform_11, window_bounds = array<i64: 1000, 128>}, {transform_indices = @transform_12, window_bounds = array<i64: 1000, 128>}]} {
    %get3A = arith.constant 0 : index
    %get3A_0 = arith.constant 0 : index
    %get3A_1 = vector.load %arg1[%get3A, %get3A_0] : memref<1000x32xf32, #tpu.memory_space<vmem>>, vector<1000x32xf32>
    %reduce_sum3A = arith.constant dense<0.000000e+00> : vector<1000xf32>
    %reduce_sum3A_2 = vector.multi_reduction <add>, %get3A_1, %reduce_sum3A [1] : vector<1000x32xf32> to vector<1000xf32>
    %broadcast_in_dim3A = vector.shape_cast %reduce_sum3A_2 : vector<1000xf32> to vector<1000x1xf32>
    %add3A = arith.constant 1.000000e+00 : f32
    %add3A_3 = vector.broadcast %add3A : f32 to vector<1000x1xf32>
    %add3A_4 = arith.addf %broadcast_in_dim3A, %add3A_3 : vector<1000x1xf32>
    %rsqrt3A = math.rsqrt %add3A_4 : vector<1000x1xf32>
    %get3A_5 = arith.constant 0 : index
    %get3A_6 = arith.constant 0 : index
    %get3A_7 = vector.load %arg3[%get3A_5, %get3A_6] : memref<1000x128xf32, #tpu.memory_space<vmem>>, vector<1000x128xf32>
    %get3A_8 = arith.constant 0 : index
    %get3A_9 = arith.constant 0 : index
    %get3A_10 = arith.constant 0 : index
    %get3A_11 = vector.load %arg2[%get3A_8, %get3A_9, %get3A_10] : memref<2x1000x128xf32, #tpu.memory_space<vmem>>, vector<1x1000x128xf32>
    %get3A_12 = vector.shape_cast %get3A_11 : vector<1x1000x128xf32> to vector<1000x128xf32>
    %get3A_13 = arith.constant 1 : index
    %get3A_14 = arith.constant 0 : index
    %get3A_15 = arith.constant 0 : index
    %get3A_16 = vector.load %arg2[%get3A_13, %get3A_14, %get3A_15] : memref<2x1000x128xf32, #tpu.memory_space<vmem>>, vector<1x1000x128xf32>
    %get3A_17 = vector.shape_cast %get3A_16 : vector<1x1000x128xf32> to vector<1000x128xf32>
    %add3A_18 = arith.addf %get3A_12, %get3A_17 : vector<1000x128xf32>
    %mul3A = vector.broadcast %rsqrt3A : vector<1000x1xf32> to vector<1000x128xf32>
    %mul3A_19 = arith.mulf %mul3A, %add3A_18 : vector<1000x128xf32>
    %div3A = vector.broadcast %add3A_4 : vector<1000x1xf32> to vector<1000x128xf32>
    %div3A_20 = arith.divf %get3A_7, %div3A : vector<1000x128xf32>
    %add3A_21 = arith.addf %mul3A_19, %div3A_20 : vector<1000x128xf32>
    %get3A_22 = arith.constant 0 : index
    %get3A_23 = arith.constant 0 : index
    %get3A_24 = vector.load %arg4[%get3A_22, %get3A_23] : memref<128x128xf32, #tpu.memory_space<vmem>>, vector<128x128xf32>
    %dot_general3A = arith.constant dense<0.000000e+00> : vector<1000x128xf32>
    %dot_general3A_25 = tpu.matmul %add3A_21, %get3A_24, %dot_general3A {dimension_numbers = #tpu.dot_dimension_numbers<[1], [0], [0], [1], [0, 0, 1, 1], [], []>, transpose_lhs_hint = false} : vector<1000x128xf32>, vector<128x128xf32>, vector<1000x128xf32> -> vector<1000x128xf32>
    %get3A_26 = arith.constant 0 : index
    %get3A_27 = arith.constant 0 : index
    %get3A_28 = vector.load %arg5[%get3A_26, %get3A_27] : memref<1x128xf32, #tpu.memory_space<vmem>>, vector<1x128xf32>
    %add3A_29 = vector.broadcast %get3A_28 : vector<1x128xf32> to vector<1000x128xf32>
    %add3A_30 = arith.addf %dot_general3A_25, %add3A_29 : vector<1000x128xf32>
    %get3A_31 = arith.constant 0 : index
    %get3A_32 = arith.constant 0 : index
    %get3A_33 = vector.load %arg6[%get3A_31, %get3A_32] : memref<128x128xf32, #tpu.memory_space<vmem>>, vector<128x128xf32>
    %dot_general3A_34 = arith.constant dense<0.000000e+00> : vector<1000x128xf32>
    %dot_general3A_35 = tpu.matmul %add3A_30, %get3A_33, %dot_general3A_34 {dimension_numbers = #tpu.dot_dimension_numbers<[1], [0], [0], [1], [0, 0, 1, 1], [], []>, transpose_lhs_hint = false} : vector<1000x128xf32>, vector<128x128xf32>, vector<1000x128xf32> -> vector<1000x128xf32>
    %get3A_36 = arith.constant 0 : index
    %get3A_37 = arith.constant 0 : index
    %get3A_38 = vector.load %arg7[%get3A_36, %get3A_37] : memref<1x128xf32, #tpu.memory_space<vmem>>, vector<1x128xf32>
    %add3A_39 = vector.broadcast %get3A_38 : vector<1x128xf32> to vector<1000x128xf32>
    %add3A_40 = arith.addf %dot_general3A_35, %add3A_39 : vector<1000x128xf32>
    %logistic3A = arith.negf %add3A_40 : vector<1000x128xf32>
    %logistic3A_41 = math.exp %logistic3A : vector<1000x128xf32>
    %logistic3A_42 = arith.constant 1.000000e+00 : f32
    %logistic3A_43 = vector.broadcast %logistic3A_42 : f32 to vector<1000x128xf32>
    %logistic3A_44 = arith.addf %logistic3A_43, %logistic3A_41 : vector<1000x128xf32>
    %logistic3A_45 = arith.divf %logistic3A_43, %logistic3A_44 : vector<1000x128xf32>
    %get3A_46 = arith.constant 0 : index
    %get3A_47 = arith.constant 0 : index
    %get3A_48 = vector.load %arg8[%get3A_46, %get3A_47] : memref<128x128xf32, #tpu.memory_space<vmem>>, vector<128x128xf32>
    %dot_general3A_49 = arith.constant dense<0.000000e+00> : vector<1000x128xf32>
    %dot_general3A_50 = tpu.matmul %add3A_21, %get3A_48, %dot_general3A_49 {dimension_numbers = #tpu.dot_dimension_numbers<[1], [0], [0], [1], [0, 0, 1, 1], [], []>, transpose_lhs_hint = false} : vector<1000x128xf32>, vector<128x128xf32>, vector<1000x128xf32> -> vector<1000x128xf32>
    %get3A_51 = arith.constant 0 : index
    %get3A_52 = arith.constant 0 : index
    %get3A_53 = vector.load %arg9[%get3A_51, %get3A_52] : memref<1x128xf32, #tpu.memory_space<vmem>>, vector<1x128xf32>
    %add3A_54 = vector.broadcast %get3A_53 : vector<1x128xf32> to vector<1000x128xf32>
    %add3A_55 = arith.addf %dot_general3A_50, %add3A_54 : vector<1000x128xf32>
    %get3A_56 = arith.constant 0 : index
    %get3A_57 = arith.constant 0 : index
    %get3A_58 = vector.load %arg10[%get3A_56, %get3A_57] : memref<128x128xf32, #tpu.memory_space<vmem>>, vector<128x128xf32>
    %dot_general3A_59 = arith.constant dense<0.000000e+00> : vector<1000x128xf32>
    %dot_general3A_60 = tpu.matmul %add3A_55, %get3A_58, %dot_general3A_59 {dimension_numbers = #tpu.dot_dimension_numbers<[1], [0], [0], [1], [0, 0, 1, 1], [], []>, transpose_lhs_hint = false} : vector<1000x128xf32>, vector<128x128xf32>, vector<1000x128xf32> -> vector<1000x128xf32>
    %get3A_61 = arith.constant 0 : index
    %get3A_62 = arith.constant 0 : index
    %get3A_63 = vector.load %arg11[%get3A_61, %get3A_62] : memref<1x128xf32, #tpu.memory_space<vmem>>, vector<1x128xf32>
    %add3A_64 = vector.broadcast %get3A_63 : vector<1x128xf32> to vector<1000x128xf32>
    %add3A_65 = arith.addf %dot_general3A_60, %add3A_64 : vector<1000x128xf32>
    %tanh3A = math.tanh %add3A_65 : vector<1000x128xf32>
    %sub3A = arith.constant 1.000000e+00 : f32
    %sub3A_66 = vector.broadcast %sub3A : f32 to vector<1000x128xf32>
    %sub3A_67 = arith.subf %sub3A_66, %logistic3A_45 : vector<1000x128xf32>
    %mul3A_68 = arith.mulf %sub3A_67, %tanh3A : vector<1000x128xf32>
    %max3A = arith.constant 0.000000e+00 : f32
    %max3A_69 = vector.broadcast %max3A : f32 to vector<1000x128xf32>
    %max3A_70 = arith.maximumf %mul3A_68, %max3A_69 : vector<1000x128xf32>
    %swap3A = arith.constant 0 : index
    %swap3A_71 = arith.constant 0 : index
    %swap3A_72 = vector.load %arg12[%swap3A, %swap3A_71] : memref<1000x128xf32, #tpu.memory_space<vmem>>, vector<1000x128xf32>
    tpu.vector_store %arg12[%swap3A, %swap3A_71], %max3A_70 {strides = array<i32>} : memref<1000x128xf32, #tpu.memory_space<vmem>>, vector<1000x128xf32>,
    %mul3A_73 = vector.broadcast %rsqrt3A : vector<1000x1xf32> to vector<1000x128xf32>
    %mul3A_74 = arith.mulf %max3A_70, %mul3A_73 : vector<1000x128xf32>
    %swap3A_75 = arith.constant 0 : index
    %swap3A_76 = arith.constant 0 : index
    %swap3A_77 = vector.load %arg13[%swap3A_75, %swap3A_76] : memref<1000x128xf32, #tpu.memory_space<vmem>>, vector<1000x128xf32>
    tpu.vector_store %arg13[%swap3A_75, %swap3A_76], %mul3A_74 {strides = array<i32>} : memref<1000x128xf32, #tpu.memory_space<vmem>>, vector<1000x128xf32>,
    return
  }
  func.func @transform_0(%arg0: i32) -> (i32, i32) {
    %c0_i32 = arith.constant 0 : i32
    %c0_i32_0 = arith.constant 0 : i32
    return %arg0, %c0_i32 : i32, i32
  }
  func.func @transform_1(%arg0: i32) -> (i32, i32, i32) {
    %c0_i32 = arith.constant 0 : i32
    %c0_i32_0 = arith.constant 0 : i32
    %c0_i32_1 = arith.constant 0 : i32
    return %c0_i32, %arg0, %c0_i32_0 : i32, i32, i32
  }
  func.func @transform_2(%arg0: i32) -> (i32, i32) {
    %c0_i32 = arith.constant 0 : i32
    %c0_i32_0 = arith.constant 0 : i32
    return %arg0, %c0_i32 : i32, i32
  }
  func.func @transform_3(%arg0: i32) -> (i32, i32) {
    %c0_i32 = arith.constant 0 : i32
    %c0_i32_0 = arith.constant 0 : i32
    %c0_i32_1 = arith.constant 0 : i32
    return %c0_i32, %c0_i32_0 : i32, i32
  }
  func.func @transform_4(%arg0: i32) -> (i32, i32) {
    %c0_i32 = arith.constant 0 : i32
    %c0_i32_0 = arith.constant 0 : i32
    %c0_i32_1 = arith.constant 0 : i32
    return %c0_i32, %c0_i32_0 : i32, i32
  }
  func.func @transform_5(%arg0: i32) -> (i32, i32) {
    %c0_i32 = arith.constant 0 : i32
    %c0_i32_0 = arith.constant 0 : i32
    %c0_i32_1 = arith.constant 0 : i32
    return %c0_i32, %c0_i32_0 : i32, i32
  }
  func.func @transform_6(%arg0: i32) -> (i32, i32) {
    %c0_i32 = arith.constant 0 : i32
    %c0_i32_0 = arith.constant 0 : i32
    %c0_i32_1 = arith.constant 0 : i32
    return %c0_i32, %c0_i32_0 : i32, i32
  }
  func.func @transform_7(%arg0: i32) -> (i32, i32) {
    %c0_i32 = arith.constant 0 : i32
    %c0_i32_0 = arith.constant 0 : i32
    %c0_i32_1 = arith.constant 0 : i32
    return %c0_i32, %c0_i32_0 : i32, i32
  }
  func.func @transform_8(%arg0: i32) -> (i32, i32) {
    %c0_i32 = arith.constant 0 : i32
    %c0_i32_0 = arith.constant 0 : i32
    %c0_i32_1 = arith.constant 0 : i32
    return %c0_i32, %c0_i32_0 : i32, i32
  }
  func.func @transform_9(%arg0: i32) -> (i32, i32) {
    %c0_i32 = arith.constant 0 : i32
    %c0_i32_0 = arith.constant 0 : i32
    %c0_i32_1 = arith.constant 0 : i32
    return %c0_i32, %c0_i32_0 : i32, i32
  }
  func.func @transform_10(%arg0: i32) -> (i32, i32) {
    %c0_i32 = arith.constant 0 : i32
    %c0_i32_0 = arith.constant 0 : i32
    %c0_i32_1 = arith.constant 0 : i32
    return %c0_i32, %c0_i32_0 : i32, i32
  }
  func.func @transform_11(%arg0: i32) -> (i32, i32) {
    %c0_i32 = arith.constant 0 : i32
    %c0_i32_0 = arith.constant 0 : i32
    return %arg0, %c0_i32 : i32, i32
  }
  func.func @transform_12(%arg0: i32) -> (i32, i32) {
    %c0_i32 = arith.constant 0 : i32
    %c0_i32_0 = arith.constant 0 : i32
    return %arg0, %c0_i32 : i32, i32
  }
}

module attributes {stable_mosaic.version = 14 : i64} {
  func.func @_cell_body(%arg0: i32, %arg1: memref<1000x32xf32, #tpu.memory_space<vmem>>, %arg2: memref<2x1000x128xf32, #tpu.memory_space<vmem>>, %arg3: memref<1000x128xf32, #tpu.memory_space<vmem>>, %arg4: memref<128x128xf32, #tpu.memory_space<vmem>>, %arg5: memref<1x128xf32, #tpu.memory_space<vmem>>, %arg6: memref<128x128xf32, #tpu.memory_space<vmem>>, %arg7: memref<1x128xf32, #tpu.memory_space<vmem>>, %arg8: memref<128x128xf32, #tpu.memory_space<vmem>>, %arg9: memref<1x128xf32, #tpu.memory_space<vmem>>, %arg10: memref<128x128xf32, #tpu.memory_space<vmem>>, %arg11: memref<1x128xf32, #tpu.memory_space<vmem>>, %arg12: memref<1000x128xf32, #tpu.memory_space<vmem>>) attributes {dimension_semantics = [#tpu.dimension_semantics<arbitrary>], iteration_bounds = array<i64: 10>, scalar_prefetch = 0 : i64, scratch_operands = 0 : i64, tpu.core_type = #tpu.core_type<tc>, window_params = [{transform_indices = @transform_0, window_bounds = array<i64: 1000, 32>}, {transform_indices = @transform_1, window_bounds = array<i64: 2, 1000, 128>}, {transform_indices = @transform_2, window_bounds = array<i64: 1000, 128>}, {pipeline_mode = #tpu.pipeline_mode<synchronous>, transform_indices = @transform_3, window_bounds = array<i64: 128, 128>}, {pipeline_mode = #tpu.pipeline_mode<synchronous>, transform_indices = @transform_4, window_bounds = array<i64: 1, 128>}, {pipeline_mode = #tpu.pipeline_mode<synchronous>, transform_indices = @transform_5, window_bounds = array<i64: 128, 128>}, {pipeline_mode = #tpu.pipeline_mode<synchronous>, transform_indices = @transform_6, window_bounds = array<i64: 1, 128>}, {pipeline_mode = #tpu.pipeline_mode<synchronous>, transform_indices = @transform_7, window_bounds = array<i64: 128, 128>}, {pipeline_mode = #tpu.pipeline_mode<synchronous>, transform_indices = @transform_8, window_bounds = array<i64: 1, 128>}, {pipeline_mode = #tpu.pipeline_mode<synchronous>, transform_indices = @transform_9, window_bounds = array<i64: 128, 128>}, {pipeline_mode = #tpu.pipeline_mode<synchronous>, transform_indices = @transform_10, window_bounds = array<i64: 1, 128>}, {transform_indices = @transform_11, window_bounds = array<i64: 1000, 128>}]} {
    %get3A = arith.constant 0 : index
    %get3A_0 = arith.constant 0 : index
    %get3A_1 = vector.load %arg1[%get3A, %get3A_0] : memref<1000x32xf32, #tpu.memory_space<vmem>>, vector<1000x32xf32>
    %reduce_sum3A = arith.constant dense<0.000000e+00> : vector<1000xf32>
    %reduce_sum3A_2 = vector.multi_reduction <add>, %get3A_1, %reduce_sum3A [1] : vector<1000x32xf32> to vector<1000xf32>
    %broadcast_in_dim3A = vector.shape_cast %reduce_sum3A_2 : vector<1000xf32> to vector<1000x1xf32>
    %add3A = arith.constant 1.000000e+00 : f32
    %add3A_3 = vector.broadcast %add3A : f32 to vector<1000x1xf32>
    %add3A_4 = arith.addf %broadcast_in_dim3A, %add3A_3 : vector<1000x1xf32>
    %rsqrt3A = math.rsqrt %add3A_4 : vector<1000x1xf32>
    %get3A_5 = arith.constant 0 : index
    %get3A_6 = arith.constant 0 : index
    %get3A_7 = vector.load %arg3[%get3A_5, %get3A_6] : memref<1000x128xf32, #tpu.memory_space<vmem>>, vector<1000x128xf32>
    %get3A_8 = arith.constant 0 : index
    %get3A_9 = arith.constant 0 : index
    %get3A_10 = arith.constant 0 : index
    %get3A_11 = vector.load %arg2[%get3A_8, %get3A_9, %get3A_10] : memref<2x1000x128xf32, #tpu.memory_space<vmem>>, vector<1x1000x128xf32>
    %get3A_12 = vector.shape_cast %get3A_11 : vector<1x1000x128xf32> to vector<1000x128xf32>
    %get3A_13 = arith.constant 1 : index
    %get3A_14 = arith.constant 0 : index
    %get3A_15 = arith.constant 0 : index
    %get3A_16 = vector.load %arg2[%get3A_13, %get3A_14, %get3A_15] : memref<2x1000x128xf32, #tpu.memory_space<vmem>>, vector<1x1000x128xf32>
    %get3A_17 = vector.shape_cast %get3A_16 : vector<1x1000x128xf32> to vector<1000x128xf32>
    %add3A_18 = arith.addf %get3A_12, %get3A_17 : vector<1000x128xf32>
    %mul3A = vector.broadcast %rsqrt3A : vector<1000x1xf32> to vector<1000x128xf32>
    %mul3A_19 = arith.mulf %mul3A, %add3A_18 : vector<1000x128xf32>
    %div3A = vector.broadcast %add3A_4 : vector<1000x1xf32> to vector<1000x128xf32>
    %div3A_20 = arith.divf %get3A_7, %div3A : vector<1000x128xf32>
    %add3A_21 = arith.addf %mul3A_19, %div3A_20 : vector<1000x128xf32>
    %get3A_22 = arith.constant 0 : index
    %get3A_23 = arith.constant 0 : index
    %get3A_24 = vector.load %arg4[%get3A_22, %get3A_23] : memref<128x128xf32, #tpu.memory_space<vmem>>, vector<128x128xf32>
    %dot_general3A = arith.constant dense<0.000000e+00> : vector<1000x128xf32>
    %dot_general3A_25 = tpu.matmul %add3A_21, %get3A_24, %dot_general3A {dimension_numbers = #tpu.dot_dimension_numbers<[1], [0], [0], [1], [0, 0, 1, 1], [], []>, transpose_lhs_hint = false} : vector<1000x128xf32>, vector<128x128xf32>, vector<1000x128xf32> -> vector<1000x128xf32>
    %get3A_26 = arith.constant 0 : index
    %get3A_27 = arith.constant 0 : index
    %get3A_28 = vector.load %arg5[%get3A_26, %get3A_27] : memref<1x128xf32, #tpu.memory_space<vmem>>, vector<1x128xf32>
    %add3A_29 = vector.broadcast %get3A_28 : vector<1x128xf32> to vector<1000x128xf32>
    %add3A_30 = arith.addf %dot_general3A_25, %add3A_29 : vector<1000x128xf32>
    %get3A_31 = arith.constant 0 : index
    %get3A_32 = arith.constant 0 : index
    %get3A_33 = vector.load %arg6[%get3A_31, %get3A_32] : memref<128x128xf32, #tpu.memory_space<vmem>>, vector<128x128xf32>
    %dot_general3A_34 = arith.constant dense<0.000000e+00> : vector<1000x128xf32>
    %dot_general3A_35 = tpu.matmul %add3A_30, %get3A_33, %dot_general3A_34 {dimension_numbers = #tpu.dot_dimension_numbers<[1], [0], [0], [1], [0, 0, 1, 1], [], []>, transpose_lhs_hint = false} : vector<1000x128xf32>, vector<128x128xf32>, vector<1000x128xf32> -> vector<1000x128xf32>
    %get3A_36 = arith.constant 0 : index
    %get3A_37 = arith.constant 0 : index
    %get3A_38 = vector.load %arg7[%get3A_36, %get3A_37] : memref<1x128xf32, #tpu.memory_space<vmem>>, vector<1x128xf32>
    %add3A_39 = vector.broadcast %get3A_38 : vector<1x128xf32> to vector<1000x128xf32>
    %add3A_40 = arith.addf %dot_general3A_35, %add3A_39 : vector<1000x128xf32>
    %logistic3A = arith.negf %add3A_40 : vector<1000x128xf32>
    %logistic3A_41 = math.exp %logistic3A : vector<1000x128xf32>
    %logistic3A_42 = arith.constant 1.000000e+00 : f32
    %logistic3A_43 = vector.broadcast %logistic3A_42 : f32 to vector<1000x128xf32>
    %logistic3A_44 = arith.addf %logistic3A_43, %logistic3A_41 : vector<1000x128xf32>
    %logistic3A_45 = arith.divf %logistic3A_43, %logistic3A_44 : vector<1000x128xf32>
    %get3A_46 = arith.constant 0 : index
    %get3A_47 = arith.constant 0 : index
    %get3A_48 = vector.load %arg8[%get3A_46, %get3A_47] : memref<128x128xf32, #tpu.memory_space<vmem>>, vector<128x128xf32>
    %dot_general3A_49 = arith.constant dense<0.000000e+00> : vector<1000x128xf32>
    %dot_general3A_50 = tpu.matmul %add3A_21, %get3A_48, %dot_general3A_49 {dimension_numbers = #tpu.dot_dimension_numbers<[1], [0], [0], [1], [0, 0, 1, 1], [], []>, transpose_lhs_hint = false} : vector<1000x128xf32>, vector<128x128xf32>, vector<1000x128xf32> -> vector<1000x128xf32>
    %get3A_51 = arith.constant 0 : index
    %get3A_52 = arith.constant 0 : index
    %get3A_53 = vector.load %arg9[%get3A_51, %get3A_52] : memref<1x128xf32, #tpu.memory_space<vmem>>, vector<1x128xf32>
    %add3A_54 = vector.broadcast %get3A_53 : vector<1x128xf32> to vector<1000x128xf32>
    %add3A_55 = arith.addf %dot_general3A_50, %add3A_54 : vector<1000x128xf32>
    %get3A_56 = arith.constant 0 : index
    %get3A_57 = arith.constant 0 : index
    %get3A_58 = vector.load %arg10[%get3A_56, %get3A_57] : memref<128x128xf32, #tpu.memory_space<vmem>>, vector<128x128xf32>
    %dot_general3A_59 = arith.constant dense<0.000000e+00> : vector<1000x128xf32>
    %dot_general3A_60 = tpu.matmul %add3A_55, %get3A_58, %dot_general3A_59 {dimension_numbers = #tpu.dot_dimension_numbers<[1], [0], [0], [1], [0, 0, 1, 1], [], []>, transpose_lhs_hint = false} : vector<1000x128xf32>, vector<128x128xf32>, vector<1000x128xf32> -> vector<1000x128xf32>
    %get3A_61 = arith.constant 0 : index
    %get3A_62 = arith.constant 0 : index
    %get3A_63 = vector.load %arg11[%get3A_61, %get3A_62] : memref<1x128xf32, #tpu.memory_space<vmem>>, vector<1x128xf32>
    %add3A_64 = vector.broadcast %get3A_63 : vector<1x128xf32> to vector<1000x128xf32>
    %add3A_65 = arith.addf %dot_general3A_60, %add3A_64 : vector<1000x128xf32>
    %tanh3A = math.tanh %add3A_65 : vector<1000x128xf32>
    %sub3A = arith.constant 1.000000e+00 : f32
    %sub3A_66 = vector.broadcast %sub3A : f32 to vector<1000x128xf32>
    %sub3A_67 = arith.subf %sub3A_66, %logistic3A_45 : vector<1000x128xf32>
    %mul3A_68 = arith.mulf %sub3A_67, %tanh3A : vector<1000x128xf32>
    %swap3A = arith.constant 0 : index
    %swap3A_69 = arith.constant 0 : index
    %swap3A_70 = vector.load %arg12[%swap3A, %swap3A_69] : memref<1000x128xf32, #tpu.memory_space<vmem>>, vector<1000x128xf32>
    tpu.vector_store %arg12[%swap3A, %swap3A_69], %mul3A_68 {strides = array<i32>} : memref<1000x128xf32, #tpu.memory_space<vmem>>, vector<1000x128xf32>,
    return
  }
  func.func @transform_0(%arg0: i32) -> (i32, i32) {
    %c0_i32 = arith.constant 0 : i32
    %c0_i32_0 = arith.constant 0 : i32
    return %arg0, %c0_i32 : i32, i32
  }
  func.func @transform_1(%arg0: i32) -> (i32, i32, i32) {
    %c0_i32 = arith.constant 0 : i32
    %c0_i32_0 = arith.constant 0 : i32
    %c0_i32_1 = arith.constant 0 : i32
    return %c0_i32, %arg0, %c0_i32_0 : i32, i32, i32
  }
  func.func @transform_2(%arg0: i32) -> (i32, i32) {
    %c0_i32 = arith.constant 0 : i32
    %c0_i32_0 = arith.constant 0 : i32
    return %arg0, %c0_i32 : i32, i32
  }
  func.func @transform_3(%arg0: i32) -> (i32, i32) {
    %c0_i32 = arith.constant 0 : i32
    %c0_i32_0 = arith.constant 0 : i32
    %c0_i32_1 = arith.constant 0 : i32
    return %c0_i32, %c0_i32_0 : i32, i32
  }
  func.func @transform_4(%arg0: i32) -> (i32, i32) {
    %c0_i32 = arith.constant 0 : i32
    %c0_i32_0 = arith.constant 0 : i32
    %c0_i32_1 = arith.constant 0 : i32
    return %c0_i32, %c0_i32_0 : i32, i32
  }
  func.func @transform_5(%arg0: i32) -> (i32, i32) {
    %c0_i32 = arith.constant 0 : i32
    %c0_i32_0 = arith.constant 0 : i32
    %c0_i32_1 = arith.constant 0 : i32
    return %c0_i32, %c0_i32_0 : i32, i32
  }
  func.func @transform_6(%arg0: i32) -> (i32, i32) {
    %c0_i32 = arith.constant 0 : i32
    %c0_i32_0 = arith.constant 0 : i32
    %c0_i32_1 = arith.constant 0 : i32
    return %c0_i32, %c0_i32_0 : i32, i32
  }
  func.func @transform_7(%arg0: i32) -> (i32, i32) {
    %c0_i32 = arith.constant 0 : i32
    %c0_i32_0 = arith.constant 0 : i32
    %c0_i32_1 = arith.constant 0 : i32
    return %c0_i32, %c0_i32_0 : i32, i32
  }
  func.func @transform_8(%arg0: i32) -> (i32, i32) {
    %c0_i32 = arith.constant 0 : i32
    %c0_i32_0 = arith.constant 0 : i32
    %c0_i32_1 = arith.constant 0 : i32
    return %c0_i32, %c0_i32_0 : i32, i32
  }
  func.func @transform_9(%arg0: i32) -> (i32, i32) {
    %c0_i32 = arith.constant 0 : i32
    %c0_i32_0 = arith.constant 0 : i32
    %c0_i32_1 = arith.constant 0 : i32
    return %c0_i32, %c0_i32_0 : i32, i32
  }
  func.func @transform_10(%arg0: i32) -> (i32, i32) {
    %c0_i32 = arith.constant 0 : i32
    %c0_i32_0 = arith.constant 0 : i32
    %c0_i32_1 = arith.constant 0 : i32
    return %c0_i32, %c0_i32_0 : i32, i32
  }
  func.func @transform_11(%arg0: i32) -> (i32, i32) {
    %c0_i32 = arith.constant 0 : i32
    %c0_i32_0 = arith.constant 0 : i32
    return %arg0, %c0_i32 : i32, i32
  }
}

</mosaic_0001>

<sc_bundles>
// kernel: kernel.11.cloned.1.call-start
scs
__scs_entry_jumppad:
0x0: {  	(pc) =	sbr.rel $0x88, $3  }
0x1: {  	(tag) =	ssettag $0x0;
	lr =	simm.s32 $0x1  }
0x2: {  	[smem:$0x3F97] =	sst lr;
	_ =	strace $0xD0000000  }
0x3: {  	_ = 	snop  }
0x4: {  	_ = 	snop  }
0x5: {  	_ = 	snop  }
0x6: {  	_ = 	snop  }
0x7: {  	_ = 	snop  }
__scs_overlays_trampoline_lowered:
0x8: {  	[smem:$0x3FA6] =	sst s0  }
0x9: {  	[smem:$0x3FA7] =	sst s1  }
0xa: {  	[smem:$0x3FA8] =	sst s2  }
0xb: {  	[smem:$0x3FA9] =	sst s3  }
0xc: {  	[smem:$0x3FAA] =	sst s4  }
0xd: {  	[smem:$0x3FAB] =	sst s5  }
0xe: {  	[smem:$0x3FAC] =	sst s6  }
0xf: {  	[smem:$0x3FAD] =	sst s7  }
0x10: {  	[smem:$0x3FAE] =	sst s8  }
0x11: {  	[smem:$0x3FAF] =	sst s9;
	s0 =	simm.s32 @!p0 $0x0  }
0x12: {  	s1 =	sld [smem:$0x3F95];
	s0 =	simm.s32 @p0 $0x1  }
0x13: {  	[smem:$0x3FB0] =	sst s0;
	s0 =	simm.s32 @!p1 $0x0  }
0x14: {  	s2 =	sld [smem:$0x3F94];
	s0 =	simm.s32 @p1 $0x1  }
0x15: {  	[smem:$0x3FB1] =	sst s0;
	s0 =	simm.s32 @!p2 $0x0  }
0x16: {  	s3 =	sld [smem:$0x3FDB];
	s0 =	simm.s32 @p2 $0x1  }
0x17: {  	s4 =	simm.s32 $0x1BF5;
	[smem:$0x3FB3] =	sst s0  }
0x18: {  	s0 =	sld [smem:$0x3F96];
	_ =	swait.ge [sflag:s4], $0x0  }
0x19: {  	s7 =	sld [smem:$0x3F97]  }
0x1a: {  	s8 =	sadd.s32 $0xFFFFE003, lr  }
0x1b: {  	s9 =	sadd.s32 $0xFFFFFEF7, lr;
	s5 =	simm.s32 $0xFFFFFFFF;
	p2 =	slt.u32 s8, $0xFFFFF086  }
0x1c: {  	p1 =	slt.u32 s9, $0xF7A;
	s5 =	simm.s32 @!p2 $0x0  }
0x1d: {  	s5 =	simm.s32 @p1 $0x1;
	p0 =	seq.s32 s7, s2  }
0x1e: {  	s7 =	smul.u32 @!p0 $0xF7A, s2;
	p2 =	seq.s32 @!p0 s5, $0x0  }
0x1f: {  	s9 =	smul.u32 $0xF7A, s1;
	s8 =	simm.s32 @!p0 $0x1BF5;
	p2 =	por !p2, p0  }
0x20: {  	[sflag:s8] =	ssyncset.s32 @!p0 $0xFFFFF086;
	s6 =	sadd.s32 @!p0 s3, s7;
	s7 =	simm.s32 @!p0 $0x108  }
0x21: {  	s3 =	sadd.s32 s3, s9;
	s6 =	sadd.s32 @!p0 $0x88, s6;
	s7 =	simm.s32 @p2 $0x1082  }
0x22: {  	[simem:s7], [sflag:s8] =	dma.local @!p0 [hbm:s6], $0xF7A  }
0x23: {  	s9 =	sor.u32 $0xD0000000, s2;
	s6 =	simm.s32 $0x108;
	_ =	swait.ge @!p0 [sflag:s8], $0x0  }
0x24: {  	s3 =	sadd.s32 $0x88, s3;
	s6 =	simm.s32 @!p1 $0x1082;
	[sflag:s4] =	ssyncset.s32 $0xFFFFF086  }
0x25: {  	[simem:s6], [sflag:s4] =	dma.local [hbm:s3], $0xF7A  }
0x26: {  	[smem:$0x3F97] =	sst s1;
	(tag) =	ssettag s2;
	_ =	strace s9  }
0x27: {  	s1 =	sld [smem:$0x3FA7]  }
0x28: {  	s2 =	sld [smem:$0x3FA8]  }
0x29: {  	s4 =	sld [smem:$0x3FAA]  }
0x2a: {  	p0 =	seq.s32 s5, $0x0;
	s5 =	sld [smem:$0x3FAB]  }
0x2b: {  	s6 =	sld [smem:$0x3FAC]  }
0x2c: {  	s7 =	sld [smem:$0x3FAD]  }
0x2d: {  	s3 =	simm.s32 $0x108;
	s8 =	sld [smem:$0x3FAE]  }
0x2e: {  	s3 =	simm.s32 @!p0 $0x1082;
	s9 =	sld [smem:$0x3FAF]  }
0x2f: {  	lr =	sadd.s32 s0, s3;
	s0 =	sld [smem:$0x3FA6]  }
0x30: {  	s3 =	sld [smem:$0x3FA9]  }
0x31: {  	[smem:$0x3FB2] =	sst s10  }
0x32: {  	s10 =	sld [smem:$0x3FB0];
	_ =	sdelay $0x3  }
0x33: {  	p0 =	seq.s32 s10, $0x1;
	s10 =	sld [smem:$0x3FB2];
	_ =	sdelay $0x3  }
0x34: {  	[smem:$0x3FB2] =	sst s10  }
0x35: {  	s10 =	sld [smem:$0x3FB1];
	_ =	sdelay $0x3  }
0x36: {  	p1 =	seq.s32 s10, $0x1;
	s10 =	sld [smem:$0x3FB2];
	_ =	sdelay $0x3  }
0x37: {  	[smem:$0x3FB2] =	sst s10  }
0x38: {  	s10 =	sld [smem:$0x3FB3]  }
0x39: {  	_ = 	snop;
	(pc) =	sbr.ind lr, $3  }
0x3a: {  	_ = 	snop  }
0x3b: {  	_ = 	snop  }
0x3c: {  	p2 =	seq.s32 s10, $0x1;
	s10 =	sld [smem:$0x3FB2]  }
0x3d: {  	_ =	shalt  }
0x3e: {  	_ =	shalt  }
0x3f: {  	_ =	shalt  }
0x40: {  	_ =	shalt  }
0x41: {  	_ =	shalt  }
0x42: {  	_ =	shalt  }
0x43: {  	_ =	shalt  }
0x44: {  	_ =	shalt  }
0x45: {  	_ =	shalt  }
0x46: {  	_ =	shalt  }
0x47: {  	_ =	shalt  }
0x48: {  	_ =	shalt  }
0x49: {  	_ =	shalt  }
0x4a: {  	_ =	shalt  }
0x4b: {  	_ =	shalt  }
0x4c: {  	_ =	shalt  }
0x4d: {  	_ =	shalt  }
0x4e: {  	_ =	shalt  }
0x4f: {  	_ =	shalt  }
0x50: {  	_ =	shalt  }
0x51: {  	_ =	shalt  }
0x52: {  	_ =	shalt  }
0x53: {  	_ =	shalt  }
0x54: {  	_ =	shalt  }
0x55: {  	_ =	shalt  }
0x56: {  	_ =	shalt  }
0x57: {  	_ =	shalt  }
0x58: {  	_ =	shalt  }
0x59: {  	_ =	shalt  }
0x5a: {  	_ =	shalt  }
0x5b: {  	_ =	shalt  }
0x5c: {  	_ =	shalt  }
0x5d: {  	_ =	shalt  }
0x5e: {  	_ =	shalt  }
0x5f: {  	_ =	shalt  }
0x60: {  	_ =	shalt  }
0x61: {  	_ =	shalt  }
0x62: {  	_ =	shalt  }
0x63: {  	_ =	shalt  }
0x64: {  	_ =	shalt  }
0x65: {  	_ =	shalt  }
0x66: {  	_ =	shalt  }
0x67: {  	_ =	shalt  }
0x68: {  	_ =	shalt  }
0x69: {  	_ =	shalt  }
0x6a: {  	_ =	shalt  }
0x6b: {  	_ =	shalt  }
0x6c: {  	_ =	shalt  }
0x6d: {  	_ =	shalt  }
0x6e: {  	_ =	shalt  }
0x6f: {  	_ =	shalt  }
0x70: {  	_ =	shalt  }
0x71: {  	_ =	shalt  }
0x72: {  	_ =	shalt  }
0x73: {  	_ =	shalt  }
0x74: {  	_ =	shalt  }
0x75: {  	_ =	shalt  }
0x76: {  	_ =	shalt  }
0x77: {  	_ =	shalt  }
0x78: {  	_ =	shalt  }
0x79: {  	_ =	shalt  }
0x7a: {  	_ =	shalt  }
0x7b: {  	_ =	shalt  }
0x7c: {  	_ =	shalt  }
0x7d: {  	_ =	shalt  }
0x7e: {  	_ =	shalt  }
0x7f: {  	_ =	shalt  }
0x80: {  	_ =	shalt  }
0x81: {  	_ =	shalt  }
0x82: {  	_ =	shalt  }
0x83: {  	_ =	shalt  }
0x84: {  	_ =	shalt  }
0x85: {  	_ =	shalt  }
0x86: {  	_ =	shalt  }
0x87: {  	_ =	shalt  }
.Lfunc_end0:
.L_simem_size_0:
called_computation.1_lowered:
.L_overlay_start_0:
0x88: {  	s2 =	sld [smem:$0x3FD9]  }
0x89: {  	s3 =	sld [smem:$0x3FFE];
	_ =	sdelay $0x1  }
0x8a: {  	s1 =	srdreg.scid  }
0x8b: {  	s0 =	sand.u32 $0x1, s1  }
0x8c: {  	s17 =	sshll.u32 s0, $0xA;
	s2 =	sadd.s32 s3, s2  }
0x8d: {  	s2 =	sadd.s32 s2, s17  }
0x8e: {  	[smem:$0x3FBE] =	sst s2  }
0x8f: {  	_ = 	snop  }
0x90: {  	s2 =	sld [smem:$0x3FD0];
	(tm) =	ssettm $0x1  }
0x91: {  	s18 =	sld [smem:$0x3FFB];
	_ =	sdelay $0x3  }
0x92: {  	_ =	strace s18  }
0x93: {  	s3 =	sld [smem:$0x3FFC];
	_ =	sdelay $0x3  }
0x94: {  	_ =	strace s3  }
0x95: {  	s3 =	sld [smem:$0x3FFD];
	_ =	sdelay $0x3  }
0x96: {  	_ =	strace s3  }
0x97: {  	_ =	strace $0x8FFFFFFF  }
0x98: {  	s19 =	sld [smem:$0x3FDB];
	_ =	sdelay $0x1  }
0x99: {  	s4 =	simm.s32 $_scs_section_size  }
0x9a: {  	s5 =	simm.s32 $_size__tile_overlayer_lowered;
	s6 =	simm.s32 $_tile_overlayer_lowered  }
0x9b: {  	s22 =	simm.s32 $0x1BFF;
	s21 =	sshll.u32 s6, $0x1;
	s3 =	sadd.s32 s4, s19  }
0x9c: {  	s7 =	simm.s32 $0x0;
	s20 =	sshll.u32 s5, $0x1;
	s5 =	sadd.s32 s21, s3  }
0x9d: {  	[timem:s7], [sflag:s22] =	dma.local [hbm:s5], s20  }
0x9e: {  	_ =	swait.ge [sflag:s22], s20  }
0x9f: {  	s4 =	ssub.s32 $0x0, s20;
	[sflag:s22] =	ssyncset.done $0x0  }
0xa0: {  	[sflag:s22] =	ssyncadd.s32 s4;
	_ =	sdelay $0x1  }
0xa1: {  	s23 =	simm.s32 $0x1B8B  }
0xa2: {  	_ =	swait.ge [sflag:s23], $0x1  }
0xa3: {  	[sflag:s23] =	ssyncset.done $0x0  }
0xa4: {  	s25 =	simm.s32 $0x1B8E;
	s24 =	sld [smem:$0x3FFE];
	[sflag:s23] =	ssyncadd.s32 $0xFFFFFFFF  }
0xa5: {  	s26 =	simm.s32 $execute0_lowered;
	[smem:$0x3FD2] =	sst s25  }
0xa6: {  	s5 =	sshll.u32 s26, $0x1;
	_ =	strace $0x80000049;
	[dreg:$0x1] =	wrdreg $0xFFFFFFFF  }
0xa7: {  	s28 =	simm.s32 $_size_execute0_lowered;
	s3 =	sadd.s32 s3, s5;
	[dreg:$0x0] =	wrdreg $0x0  }
0xa8: {  	s5 =	sshll.u32 s28, $0x1;
	[dreg:$0x2] =	wrdreg s3  }
0xa9: {  	[dreg:$0x3] =	wrdreg s5  }
0xaa: {  	[dreg:$0x4] =	wrdreg $0xC0  }
0xab: {  	_ =	task [dreg:s7], $0x5FFFF  }
0xac: {  	[dreg:$0x1] =	wrdreg $0xFFFFFFFF  }
0xad: {  	[dreg:$0x0] =	wrdreg $0x60  }
0xae: {  	[dreg:$0x2] =	wrdreg s2  }
0xaf: {  	[dreg:$0x3] =	wrdreg s24  }
0xb0: {  	[dreg:$0x4] =	wrdreg $0xB0000  }
0xb1: {  	[dreg:$0x5] =	wrdreg $0x9  }
0xb2: {  	_ =	task.clear_ibuf [dreg:s7], $0x6FFFF;
	_ =	strace $0x90000049  }
0xb3: {  	s29 =	simm.s32 $0x9;
	_ =	strace $0x8000004B  }
0xb4: {  	_ =	swait.ge [sflag:s29], $0x1  }
0xb5: {  	[sflag:s29] =	ssyncadd.s32 $0xFFFFFFFF  }
0xb6: {  	_ =	strace $0x9000004B  }
0xb7: {  	_ =	sfence  }
0xb8: {  	s30 =	sld [smem:$0x0];
	_ =	sdelay $0x2  }
0xb9: {  	s31 =	sshll.u32 s1, $0xD;
	s1 =	sshrl.u32 s1, $0x2  }
0xba: {  	s3 =	sand.u32 $0x4000, s31;
	s1 =	sadd.s32 s1, s30  }
0xbb: {  	s0 =	sor.u32 s3, s0;
	s1 =	sshll.u32 s1, $0x11  }
0xbc: {  	s0 =	sor.u32 s1, s0  }
0xbd: {  	s0 =	sadd.s32 $0x8F2B, s0  }
0xbe: {  	[sflag:s0] =	ssyncadd.remote.s32 $0x1  }
0xbf: {  	_ =	sfence.sel $0xFFFF  }
0xc0: {  	[dreg:$0x0] =	wrdreg $0xFFFFFFFF;
	(pc) =	sbr.abs _section_cstart, $3  }
0xc1: {  	[dreg:$0x1] =	wrdreg $0xFFFFFFFF  }
0xc2: {  	_ =	task.clear_ibuf [dreg:s7], $0x2FFFF;
	_ =	strace $0x9FFFFFFF  }
0xc3: {  	(tm) =	ssettm $0x7FFFFFFF  }
tec
execute0_lowered:
.L_overlay_start_1:
0x0: {  	(tag) =	ssettag $0x1  }
0x1: {  	s2 =	rddreg [dreg:$0x0]  }
0x2: {  	s0 =	rddreg [dreg:$0x1];
	s1 =	stileid.u32  }
0x3: {  	s3 =	rddreg [dreg:$0x2];
	s4 =	simm.s32 $0x0;
	s5 =	smul.u32 $0x700, s1  }
0x4: {  	s6 =	srdreg.scid;
	s28 =	simm.s32 $0x80;
	s7 =	smul.u32 $0x380, s1  }
0x5: {  	s29 =	simm.s32 $0x1;
	s30 =	simm.s32 $0x0;
	s9 =	smul.u32 $0x50000, s1  }
0x6: {  	[smem:$0x7FF] =	sst s4;
	s6 =	sand.u32 $0x1, s6;
	s19 =	smul.u32 $0x14000, s1  }
0x7: {  	_ =	strace $0x8000004A;
	s8 =	ssub.s32 $0x2, s6;
	p0 =	seq.s32 s6, $0x1  }
0x8: {  	s20 =	smul.u32 $0x140000, s6;
	s10 =	sadd.s32 s5, s0;
	s11 =	sadd.s32 s7, s0  }
0x9: {  	s24 =	sshrl.u32 s8, $0x1;
	s0 =	sadd.s32 $0x21200, s0;
	s25 =	sshrl.u32 s9, $0x2  }
0xa: {  	s16 =	sadd.s32 $0x4000, s19;
	s21 =	sadd.s32 $0x8000, s19;
	s22 =	sadd.s32 $0xC000, s19  }
0xb: {  	s23 =	sadd.s32 $0x10000, s19;
	s12 =	ssub.s32 s8, s24;
	s5 =	sadd.s32 s25, s3  }
0xc: {  	s26 =	sadd.s32 $0x13200, s10;
	s7 =	sadd.s32 $0x1A200, s10;
	s8 =	sadd.s32 $0xFA00, s11  }
0xd: {  	s9 =	sadd.s32 $0xC200, s11;
	s14 =	sadd.s32 s20, s19;
	s17 =	sadd.s32 s20, s16  }
0xe: {  	s16 =	sadd.s32 s16, s3;
	s18 =	sadd.s32 s21, s3;
	s21 =	sadd.s32 s20, s21  }
0xf: {  	s31 =	sadd.s32 s20, s22;
	s24 =	sadd.s32 s20, s23;
	s20 =	sadd.s32 s22, s3  }
0x10: {  	s22 =	sadd.s32 s23, s3;
	s25 =	simm.s32 $0x2;
	[dreg:$0x4] =	wrdreg s26  }
0x11: {  	s10 =	smax.u32 s12, $0x1;
	s11 =	sadd.s32 $0x4000, s5;
	s12 =	sadd.s32 $0x8000, s5  }
.Ltmp0:
0x12: {  	s13 =	sadd.s32 $0xC000, s5;
	s15 =	sshrl.u32 s14, $0x3;
	(pc) =	sbr.rel .LBB2_1-.Ltmp0, $4  }
0x13: {  	s14 =	sadd.s32 $0x10000, s5;
	s17 =	sshrl.u32 s17, $0x3;
	s21 =	sshrl.u32 s21, $0x3  }
0x14: {  	s24 =	sshrl.u32 s24, $0x3;
	s26 =	simm.s32 $0x3800;
	s15 =	sadd.s32 s0, s15  }
0x15: {  	s17 =	sadd.s32 s0, s17;
	s19 =	sadd.s32 s0, s21;
	s21 =	sshrl.u32 s31, $0x3  }
0x16: {  	v0 =	vimm.f32 $0.0e+00;
	s23 =	sadd.s32 s0, s24;
	s24 =	simm.s32 $0x7000;
	s21 =	sadd.s32 s0, s21  }
.LBB2_6:
0x17: {  	s0 =	sshra.s32 s31, $0x2;
	[sflag:s25] =	ssyncadd.s32 $0xFFFFC000  }
0x18: {  	[tilespmem:s24], [sflag:$0x1] =	stream.indirect.gather [hbm4b:s2+s28], $0x80, s0, s28, $0xb8;
	[tilespmem:$0x1F000] =	vst v63  }
0x19: {  	_ =	swait.ge [sflag:s29], $0x4000  }
0x1a: {  	[sflag:s29] =	ssyncset.done $0x0  }
0x1b: {  	s0 =	sadd.s32 $0x3800, s0;
	[sflag:s29] =	ssyncadd.s32 $0xFFFFC000  }
0x1c: {  	[spmem:s3] =	stream.indirect.scatter.add.f32 [tilespmem:s24], [sflag:$0x2], $0x80, s0, s28, $0xb8;
	[tilespmem:$0x1F000] =	vst v63  }
0x1d: {  	_ =	swait.ge [sflag:s25], $0x4000  }
0x1e: {  	[sflag:s25] =	ssyncset.done $0x0  }
0x1f: {  	[sflag:s25] =	ssyncadd.s32 $0xFFFFC000  }
.LBB2_10:
0x20: {  	[bflag:$0x0] =	sbarrier.arrive $0xFFFF  }
0x21: {  	[tilespmem:s24], [sflag:$0x2] =	stream.linear.gather [spmem:s5], $0x4000, $0x38;
	[tilespmem:$0x1F000] =	vst v63  }
0x22: {  	_ =	swait.ge [sflag:s25], $0x4000  }
0x23: {  	[sflag:s25] =	ssyncset.done $0x0  }
0x24: {  	[sflag:s25] =	ssyncadd.s32 $0xFFFFC000  }
0x25: {  	[hbm4b:s15+s4] =	stream.linear.scatter [tilespmem:s24], [sflag:$0x2], $0x4000, $0x38;
	[tilespmem:$0x1F000] =	vst v63  }
0x26: {  	_ =	swait.ge [sflag:s25], $0x4000  }
0x27: {  	[sflag:s25] =	ssyncset.done $0x0  }
0x28: {  	[sflag:s25] =	ssyncadd.s32 $0xFFFFC000  }
0x29: {  	[tilespmem:s24], [sflag:$0x2] =	stream.linear.gather [spmem:s16], $0x4000, $0x38;
	[tilespmem:$0x1F000] =	vst v63  }
0x2a: {  	_ =	swait.ge [sflag:s25], $0x4000  }
0x2b: {  	[sflag:s25] =	ssyncset.done $0x0  }
0x2c: {  	[sflag:s25] =	ssyncadd.s32 $0xFFFFC000  }
0x2d: {  	[hbm4b:s17+s4] =	stream.linear.scatter [tilespmem:s24], [sflag:$0x2], $0x4000, $0x38;
	[tilespmem:$0x1F000] =	vst v63  }
0x2e: {  	_ =	swait.ge [sflag:s25], $0x4000  }
0x2f: {  	[sflag:s25] =	ssyncset.done $0x0  }
0x30: {  	[sflag:s25] =	ssyncadd.s32 $0xFFFFC000  }
0x31: {  	[tilespmem:s24], [sflag:$0x2] =	stream.linear.gather [spmem:s18], $0x4000, $0x38;
	[tilespmem:$0x1F000] =	vst v63  }
0x32: {  	_ =	swait.ge [sflag:s25], $0x4000  }
0x33: {  	[sflag:s25] =	ssyncset.done $0x0  }
0x34: {  	[sflag:s25] =	ssyncadd.s32 $0xFFFFC000  }
0x35: {  	[hbm4b:s19+s4] =	stream.linear.scatter [tilespmem:s24], [sflag:$0x2], $0x4000, $0x38;
	[tilespmem:$0x1F000] =	vst v63  }
0x36: {  	_ =	swait.ge [sflag:s25], $0x4000  }
0x37: {  	[sflag:s25] =	ssyncset.done $0x0  }
0x38: {  	[sflag:s25] =	ssyncadd.s32 $0xFFFFC000  }
0x39: {  	[tilespmem:s24], [sflag:$0x2] =	stream.linear.gather [spmem:s20], $0x4000, $0x38;
	[tilespmem:$0x1F000] =	vst v63  }
0x3a: {  	_ =	swait.ge [sflag:s25], $0x4000  }
0x3b: {  	[sflag:s25] =	ssyncset.done $0x0  }
0x3c: {  	[sflag:s25] =	ssyncadd.s32 $0xFFFFC000  }
0x3d: {  	[hbm4b:s21+s4] =	stream.linear.scatter [tilespmem:s24], [sflag:$0x2], $0x4000, $0x38;
	[tilespmem:$0x1F000] =	vst v63  }
0x3e: {  	_ =	swait.ge [sflag:s25], $0x4000  }
0x3f: {  	[sflag:s25] =	ssyncset.done $0x0  }
0x40: {  	[sflag:s25] =	ssyncadd.s32 $0xFFFFC000  }
0x41: {  	[tilespmem:s24], [sflag:$0x2] =	stream.linear.gather [spmem:s22], $0x4000, $0x38;
	[tilespmem:$0x1F000] =	vst v63  }
0x42: {  	s30 =	sadd.s32 $0x1, s30;
	_ =	swait.ge [sflag:s25], $0x4000  }
0x43: {  	p1 =	sne.s32 s30, s10;
	[sflag:s25] =	ssyncset.done $0x0  }
.Ltmp1:
0x44: {  	[sflag:s25] =	ssyncadd.s32 $0xFFFFC000;
	(pc) =	sbr.rel @!p1 .LBB2_11-.Ltmp1, $4  }
0x45: {  	[hbm4b:s23+s4] =	stream.linear.scatter [tilespmem:s24], [sflag:$0x2], $0x4000, $0x38;
	[tilespmem:$0x1F000] =	vst v63  }
0x46: {  	_ =	swait.ge [sflag:s25], $0x4000  }
0x47: {  	[sflag:s25] =	ssyncset.done $0x0  }
0x48: {  	[sflag:s25] =	ssyncadd.s32 $0xFFFFC000  }
.LBB2_1:
0x49: {  	s31 =	simm.s32 $0x0;
	s0 =	simm.s32 $0x200  }
.LBB2_2:
0x4a: {  	p1 =	sne.s32 s0, $0xFE00;
	[tilespmem:s31+$0x7070] =	vst v0  }
0x4b: {  	[tilespmem:s31+$0x7000] =	vst v0  }
0x4c: {  	[tilespmem:s31+$0x7010] =	vst v0  }
.Ltmp2:
0x4d: {  	[tilespmem:s31+$0x7020] =	vst v0;
	(pc) =	sbr.rel @p1 .LBB2_2-.Ltmp2, $4  }
0x4e: {  	[tilespmem:s31+$0x7030] =	vst v0  }
0x4f: {  	[tilespmem:s31+$0x7040] =	vst v0  }
0x50: {  	[tilespmem:s31+$0x7050] =	vst v0  }
0x51: {  	[tilespmem:s31+$0x7060] =	vst v0;
	s31 =	sshra.s32 s0, $0x2;
	s0 =	sadd.s32 $0x200, s0  }
0x52: {  	[tilespmem:s31+$0x7070] =	vst v0  }
0x53: {  	[tilespmem:s31+$0x7000] =	vst v0  }
0x54: {  	[tilespmem:s31+$0x7010] =	vst v0  }
0x55: {  	[tilespmem:s31+$0x7020] =	vst v0  }
0x56: {  	[tilespmem:s31+$0x7030] =	vst v0  }
0x57: {  	[tilespmem:s31+$0x7040] =	vst v0  }
0x58: {  	[tilespmem:s31+$0x7050] =	vst v0  }
0x59: {  	[tilespmem:s31+$0x7060] =	vst v0  }
0x5a: {  	[spmem:s5] =	stream.linear.scatter [tilespmem:s24], [sflag:$0x2], $0x4000, $0x38;
	[tilespmem:$0x1F000] =	vst v63  }
0x5b: {  	_ =	swait.ge [sflag:s25], $0x4000  }
0x5c: {  	[sflag:s25] =	ssyncset.done $0x0  }
0x5d: {  	[sflag:s25] =	ssyncadd.s32 $0xFFFFC000  }
0x5e: {  	[spmem:s11] =	stream.linear.scatter [tilespmem:s24], [sflag:$0x2], $0x4000, $0x38;
	[tilespmem:$0x1F000] =	vst v63  }
0x5f: {  	_ =	swait.ge [sflag:s25], $0x4000  }
0x60: {  	[sflag:s25] =	ssyncset.done $0x0  }
0x61: {  	[sflag:s25] =	ssyncadd.s32 $0xFFFFC000  }
0x62: {  	[spmem:s12] =	stream.linear.scatter [tilespmem:s24], [sflag:$0x2], $0x4000, $0x38;
	[tilespmem:$0x1F000] =	vst v63  }
0x63: {  	_ =	swait.ge [sflag:s25], $0x4000  }
0x64: {  	[sflag:s25] =	ssyncset.done $0x0  }
0x65: {  	[sflag:s25] =	ssyncadd.s32 $0xFFFFC000  }
0x66: {  	[spmem:s13] =	stream.linear.scatter [tilespmem:s24], [sflag:$0x2], $0x4000, $0x38;
	[tilespmem:$0x1F000] =	vst v63  }
0x67: {  	_ =	swait.ge [sflag:s25], $0x4000  }
0x68: {  	[sflag:s25] =	ssyncset.done $0x0  }
0x69: {  	[sflag:s25] =	ssyncadd.s32 $0xFFFFC000  }
0x6a: {  	[spmem:s14] =	stream.linear.scatter [tilespmem:s24], [sflag:$0x2], $0x4000, $0x38;
	[tilespmem:$0x1F000] =	vst v63  }
.Ltmp3:
0x6b: {  	_ =	swait.ge [sflag:s25], $0x4000;
	(pc) =	sbr.rel @!p0 .LBB2_4-.Ltmp3, $4  }
0x6c: {  	[sflag:s25] =	ssyncset.done $0x0  }
0x6d: {  	[sflag:s25] =	ssyncadd.s32 $0xFFFFC000  }
0x6e: {  	[bflag:$0x0] =	sbarrier.arrive $0xFFFF  }
0x6f: {  	s0 =	simm.s32 $0x0  }
0x70: {  	[tilespmem:s0], [sflag:$0x2] =	stream.linear.gather [hbm4b:s8+s0], $0x1A80, $0x38;
	[tilespmem:$0x1F000] =	vst v63  }
0x71: {  	_ =	swait.ge [sflag:s25], $0x1A80  }
0x72: {  	[sflag:s25] =	ssyncset.done $0x0  }
0x73: {  	[sflag:s25] =	ssyncadd.s32 $0xFFFFE580  }
0x74: {  	[tilespmem:s26], [sflag:$0x2] =	stream.linear.gather [hbm4b:s9+s0], $0x1A80, $0x38;
	[tilespmem:$0x1F000] =	vst v63  }
0x75: {  	_ =	swait.ge [sflag:s25], $0x1A80  }
0x76: {  	[sflag:s25] =	ssyncset.done $0x0  }
0x77: {  	s1 =	simm.s32 $0x0;
	[sflag:s25] =	ssyncadd.s32 $0xFFFFE580  }
0x78: {  	[tilespmem:s24], [sflag:$0x1] =	stream.indirect.gather [hbm4b:s2+s28], $0x80, s1, s28, $0xb8;
	[tilespmem:$0x1F000] =	vst v63  }
0x79: {  	_ =	swait.ge [sflag:s29], $0x4000  }
0x7a: {  	[sflag:s29] =	ssyncset.done $0x0  }
0x7b: {  	s6 =	simm.s32 $0x3800;
	[sflag:s29] =	ssyncadd.s32 $0xFFFFC000  }
0x7c: {  	[spmem:s3] =	stream.indirect.scatter.add.f32 [tilespmem:s24], [sflag:$0x2], $0x80, s6, s28, $0xb8;
	[tilespmem:$0x1F000] =	vst v63  }
0x7d: {  	_ =	swait.ge [sflag:s25], $0x4000  }
0x7e: {  	s31 =	simm.s32 $0x200;
	s0 =	simm.s32 $0x400;
	[sflag:s25] =	ssyncset.done $0x0  }
.LBB2_8:
0x7f: {  	s1 =	sshra.s32 s31, $0x2  }
0x80: {  	[sflag:s25] =	ssyncadd.s32 $0xFFFFC000;
	s31 =	smov.u32 s0;
	s6 =	sadd.s32 $0x200, s0  }
0x81: {  	[tilespmem:s24], [sflag:$0x1] =	stream.indirect.gather [hbm4b:s2+s28], $0x80, s1, s28, $0xb8;
	[tilespmem:$0x1F000] =	vst v63  }
0x82: {  	p1 =	sne.s32 s0, $0x6800;
	_ =	swait.ge [sflag:s29], $0x4000  }
.Ltmp4:
0x83: {  	[sflag:s29] =	ssyncset.done $0x0;
	(pc) =	sbr.rel @p1 .LBB2_8-.Ltmp4, $4  }
0x84: {  	s0 =	sadd.s32 $0x3800, s1;
	[sflag:s29] =	ssyncadd.s32 $0xFFFFC000  }
0x85: {  	[spmem:s3] =	stream.indirect.scatter.add.f32 [tilespmem:s24], [sflag:$0x2], $0x80, s0, s28, $0xb8;
	[tilespmem:$0x1F000] =	vst v63  }
0x86: {  	_ =	swait.ge [sflag:s25], $0x4000  }
0x87: {  	s0 =	smov.u32 s6;
	[sflag:s25] =	ssyncset.done $0x0  }
0x88: {  	s0 =	sshra.s32 s31, $0x2;
	[sflag:s25] =	ssyncadd.s32 $0xFFFFC000  }
0x89: {  	[tilespmem:s24], [sflag:$0x1] =	stream.indirect.gather [hbm4b:s2+s28], $0x80, s0, s28, $0xb8;
	[tilespmem:$0x1F000] =	vst v63  }
0x8a: {  	_ =	swait.ge [sflag:s29], $0x4000  }
0x8b: {  	[sflag:s29] =	ssyncset.done $0x0  }
.Ltmp5:
0x8c: {  	s0 =	sadd.s32 $0x3800, s0;
	[sflag:s29] =	ssyncadd.s32 $0xFFFFC000;
	(pc) =	sbr.rel .LBB2_10-.Ltmp5, $4  }
0x8d: {  	[spmem:s3] =	stream.indirect.scatter.add.f32 [tilespmem:s24], [sflag:$0x2], $0x80, s0, s28, $0xb8;
	[tilespmem:$0x1F000] =	vst v63  }
0x8e: {  	_ =	swait.ge [sflag:s25], $0x4000  }
0x8f: {  	[sflag:s25] =	ssyncset.done $0x0  }
0x90: {  	[sflag:s25] =	ssyncadd.s32 $0xFFFFC000  }
.LBB2_4:
0x91: {  	s1 =	rddreg [dreg:$0x4]  }
0x92: {  	[tilespmem:s0], [sflag:$0x2] =	stream.linear.gather [hbm4b:s1+s0], $0x3480, $0x38;
	[tilespmem:$0x1F000] =	vst v63  }
0x93: {  	_ =	swait.ge [sflag:s25], $0x3480  }
0x94: {  	[sflag:s25] =	ssyncset.done $0x0  }
0x95: {  	[sflag:s25] =	ssyncadd.s32 $0xFFFFCB80  }
0x96: {  	[tilespmem:s26], [sflag:$0x2] =	stream.linear.gather [hbm4b:s7+s0], $0x3480, $0x38;
	[tilespmem:$0x1F000] =	vst v63  }
0x97: {  	_ =	swait.ge [sflag:s25], $0x3480  }
0x98: {  	[sflag:s25] =	ssyncset.done $0x0  }
0x99: {  	s1 =	simm.s32 $0x0;
	[sflag:s25] =	ssyncadd.s32 $0xFFFFCB80  }
0x9a: {  	[tilespmem:s24], [sflag:$0x1] =	stream.indirect.gather [hbm4b:s2+s28], $0x80, s1, s28, $0xb8;
	[tilespmem:$0x1F000] =	vst v63  }
0x9b: {  	_ =	swait.ge [sflag:s29], $0x4000  }
0x9c: {  	[sflag:s29] =	ssyncset.done $0x0  }
0x9d: {  	s6 =	simm.s32 $0x3800;
	[sflag:s29] =	ssyncadd.s32 $0xFFFFC000  }
0x9e: {  	[spmem:s3] =	stream.indirect.scatter.add.f32 [tilespmem:s24], [sflag:$0x2], $0x80, s6, s28, $0xb8;
	[tilespmem:$0x1F000] =	vst v63  }
0x9f: {  	_ =	swait.ge [sflag:s25], $0x4000  }
0xa0: {  	s31 =	simm.s32 $0x200;
	s0 =	simm.s32 $0x400;
	[sflag:s25] =	ssyncset.done $0x0  }
.LBB2_5:
0xa1: {  	s1 =	sshra.s32 s31, $0x2  }
0xa2: {  	[sflag:s25] =	ssyncadd.s32 $0xFFFFC000;
	s31 =	smov.u32 s0;
	s6 =	sadd.s32 $0x200, s0  }
0xa3: {  	[tilespmem:s24], [sflag:$0x1] =	stream.indirect.gather [hbm4b:s2+s28], $0x80, s1, s28, $0xb8;
	[tilespmem:$0x1F000] =	vst v63  }
0xa4: {  	p1 =	seq.s32 s0, $0xD000;
	_ =	swait.ge [sflag:s29], $0x4000  }
.Ltmp6:
0xa5: {  	[sflag:s29] =	ssyncset.done $0x0;
	(pc) =	sbr.rel @!p1 .LBB2_5-.Ltmp6, $4  }
0xa6: {  	s0 =	sadd.s32 $0x3800, s1;
	[sflag:s29] =	ssyncadd.s32 $0xFFFFC000  }
0xa7: {  	[spmem:s3] =	stream.indirect.scatter.add.f32 [tilespmem:s24], [sflag:$0x2], $0x80, s0, s28, $0xb8;
	[tilespmem:$0x1F000] =	vst v63  }
0xa8: {  	_ =	swait.ge [sflag:s25], $0x4000  }
0xa9: {  	s0 =	smov.u32 s6;
	[sflag:s25] =	ssyncset.done $0x0  }
.Ltmp7:
0xaa: {  	_ = 	snop;
	(pc) =	sbr.rel .LBB2_6-.Ltmp7, $1  }
0xab: {  	_ =	sdelay $0x3  }
.LBB2_11:
0xac: {  	_ =	sfence.sel $0x180000  }
0xad: {  	[bflag:$0x0] =	sbarrier.arrive $0xFFFF  }
0xae: {  	_ =	strace $0x9000004A  }
0xaf: {  	s0 =	stileid.u32;
	[bflag:$0x2] =	sbarrier.arrive $0xFFFF  }
0xb0: {  	p0 =	sne.s32 s0, $0x0;
	s0 =	rddreg [dreg:$0x3]  }
0xb1: {  	s0 =	sadd.s32 @!p0 $0x100000, s0  }
0xb2: {  	[sflag:s0] =	ssyncadd.tile.s32 @!p0 $0x1;
	_ =	shalt  }
.Lfunc_end2:
_tile_overlayer_lowered:
.L_overlay_start_2:
0xb3: {  	(tag) =	ssettag $0x2  }
0xb4: {  	s0 =	rddreg [dreg:$0x0];
	s2 =	stileid.u32  }
0xb5: {  	s1 =	rddreg [dreg:$0x1];
	p0 =	sne.s32 s2, $0x0  }
0xb6: {  	s3 =	rddreg [dreg:$0x2];
	[bflag:$0x3] =	sbarrier.arrive $0xFFFF;
	s2 =	simm.s32 @!p0 $0x1C02  }
0xb7: {  	[timem:s3], [sflag:s2] =	dma.local @!p0 [hbm:s0], s1  }
0xb8: {  	s0 =	simm.s32 @!p0 $0x2  }
0xb9: {  	_ =	swait.ge @!p0 [sflag:s0], s1  }
0xba: {  	s1 =	ssub.s32 @!p0 $0x0, s1;
	[sflag:s0] =	ssyncset.done @!p0 $0x0  }
0xbb: {  	[sflag:s0] =	ssyncadd.s32 @!p0 s1  }
0xbc: {  	[bflag:$0x3] =	sbarrier.arrive $0xFFFF  }
0xbd: {  	_ =	shalt  }

// kernel: kernel.14.cloned.1.call-start
scs
__scs_entry_jumppad:
0x0: {  	(pc) =	sbr.rel $0x88, $3  }
0x1: {  	(tag) =	ssettag $0x0;
	lr =	simm.s32 $0x1  }
0x2: {  	[smem:$0x3F97] =	sst lr;
	_ =	strace $0xD0000000  }
0x3: {  	_ = 	snop  }
0x4: {  	_ = 	snop  }
0x5: {  	_ = 	snop  }
0x6: {  	_ = 	snop  }
0x7: {  	_ = 	snop  }
__scs_overlays_trampoline_lowered:
0x8: {  	[smem:$0x3FA6] =	sst s0  }
0x9: {  	[smem:$0x3FA7] =	sst s1  }
0xa: {  	[smem:$0x3FA8] =	sst s2  }
0xb: {  	[smem:$0x3FA9] =	sst s3  }
0xc: {  	[smem:$0x3FAA] =	sst s4  }
0xd: {  	[smem:$0x3FAB] =	sst s5  }
0xe: {  	[smem:$0x3FAC] =	sst s6  }
0xf: {  	[smem:$0x3FAD] =	sst s7  }
0x10: {  	[smem:$0x3FAE] =	sst s8  }
0x11: {  	[smem:$0x3FAF] =	sst s9;
	s0 =	simm.s32 @!p0 $0x0  }
0x12: {  	s1 =	sld [smem:$0x3F95];
	s0 =	simm.s32 @p0 $0x1  }
0x13: {  	[smem:$0x3FB0] =	sst s0;
	s0 =	simm.s32 @!p1 $0x0  }
0x14: {  	s2 =	sld [smem:$0x3F94];
	s0 =	simm.s32 @p1 $0x1  }
0x15: {  	[smem:$0x3FB1] =	sst s0;
	s0 =	simm.s32 @!p2 $0x0  }
0x16: {  	s3 =	sld [smem:$0x3FDB];
	s0 =	simm.s32 @p2 $0x1  }
0x17: {  	s4 =	simm.s32 $0x1BF5;
	[smem:$0x3FB3] =	sst s0  }
0x18: {  	s0 =	sld [smem:$0x3F96];
	_ =	swait.ge [sflag:s4], $0x0  }
0x19: {  	s7 =	sld [smem:$0x3F97]  }
0x1a: {  	s8 =	sadd.s32 $0xFFFFE003, lr  }
0x1b: {  	s9 =	sadd.s32 $0xFFFFFEF7, lr;
	s5 =	simm.s32 $0xFFFFFFFF;
	p2 =	slt.u32 s8, $0xFFFFF086  }
0x1c: {  	p1 =	slt.u32 s9, $0xF7A;
	s5 =	simm.s32 @!p2 $0x0  }
0x1d: {  	s5 =	simm.s32 @p1 $0x1;
	p0 =	seq.s32 s7, s2  }
0x1e: {  	s7 =	smul.u32 @!p0 $0xF7A, s2;
	p2 =	seq.s32 @!p0 s5, $0x0  }
0x1f: {  	s9 =	smul.u32 $0xF7A, s1;
	s8 =	simm.s32 @!p0 $0x1BF5;
	p2 =	por !p2, p0  }
0x20: {  	[sflag:s8] =	ssyncset.s32 @!p0 $0xFFFFF086;
	s6 =	sadd.s32 @!p0 s3, s7;
	s7 =	simm.s32 @!p0 $0x108  }
0x21: {  	s3 =	sadd.s32 s3, s9;
	s6 =	sadd.s32 @!p0 $0x88, s6;
	s7 =	simm.s32 @p2 $0x1082  }
0x22: {  	[simem:s7], [sflag:s8] =	dma.local @!p0 [hbm:s6], $0xF7A  }
0x23: {  	s9 =	sor.u32 $0xD0000000, s2;
	s6 =	simm.s32 $0x108;
	_ =	swait.ge @!p0 [sflag:s8], $0x0  }
0x24: {  	s3 =	sadd.s32 $0x88, s3;
	s6 =	simm.s32 @!p1 $0x1082;
	[sflag:s4] =	ssyncset.s32 $0xFFFFF086  }
0x25: {  	[simem:s6], [sflag:s4] =	dma.local [hbm:s3], $0xF7A  }
0x26: {  	[smem:$0x3F97] =	sst s1;
	(tag) =	ssettag s2;
	_ =	strace s9  }
0x27: {  	s1 =	sld [smem:$0x3FA7]  }
0x28: {  	s2 =	sld [smem:$0x3FA8]  }
0x29: {  	s4 =	sld [smem:$0x3FAA]  }
0x2a: {  	p0 =	seq.s32 s5, $0x0;
	s5 =	sld [smem:$0x3FAB]  }
0x2b: {  	s6 =	sld [smem:$0x3FAC]  }
0x2c: {  	s7 =	sld [smem:$0x3FAD]  }
0x2d: {  	s3 =	simm.s32 $0x108;
	s8 =	sld [smem:$0x3FAE]  }
0x2e: {  	s3 =	simm.s32 @!p0 $0x1082;
	s9 =	sld [smem:$0x3FAF]  }
0x2f: {  	lr =	sadd.s32 s0, s3;
	s0 =	sld [smem:$0x3FA6]  }
0x30: {  	s3 =	sld [smem:$0x3FA9]  }
0x31: {  	[smem:$0x3FB2] =	sst s10  }
0x32: {  	s10 =	sld [smem:$0x3FB0];
	_ =	sdelay $0x3  }
0x33: {  	p0 =	seq.s32 s10, $0x1;
	s10 =	sld [smem:$0x3FB2];
	_ =	sdelay $0x3  }
0x34: {  	[smem:$0x3FB2] =	sst s10  }
0x35: {  	s10 =	sld [smem:$0x3FB1];
	_ =	sdelay $0x3  }
0x36: {  	p1 =	seq.s32 s10, $0x1;
	s10 =	sld [smem:$0x3FB2];
	_ =	sdelay $0x3  }
0x37: {  	[smem:$0x3FB2] =	sst s10  }
0x38: {  	s10 =	sld [smem:$0x3FB3]  }
0x39: {  	_ = 	snop;
	(pc) =	sbr.ind lr, $3  }
0x3a: {  	_ = 	snop  }
0x3b: {  	_ = 	snop  }
0x3c: {  	p2 =	seq.s32 s10, $0x1;
	s10 =	sld [smem:$0x3FB2]  }
0x3d: {  	_ =	shalt  }
0x3e: {  	_ =	shalt  }
0x3f: {  	_ =	shalt  }
0x40: {  	_ =	shalt  }
0x41: {  	_ =	shalt  }
0x42: {  	_ =	shalt  }
0x43: {  	_ =	shalt  }
0x44: {  	_ =	shalt  }
0x45: {  	_ =	shalt  }
0x46: {  	_ =	shalt  }
0x47: {  	_ =	shalt  }
0x48: {  	_ =	shalt  }
0x49: {  	_ =	shalt  }
0x4a: {  	_ =	shalt  }
0x4b: {  	_ =	shalt  }
0x4c: {  	_ =	shalt  }
0x4d: {  	_ =	shalt  }
0x4e: {  	_ =	shalt  }
0x4f: {  	_ =	shalt  }
0x50: {  	_ =	shalt  }
0x51: {  	_ =	shalt  }
0x52: {  	_ =	shalt  }
0x53: {  	_ =	shalt  }
0x54: {  	_ =	shalt  }
0x55: {  	_ =	shalt  }
0x56: {  	_ =	shalt  }
0x57: {  	_ =	shalt  }
0x58: {  	_ =	shalt  }
0x59: {  	_ =	shalt  }
0x5a: {  	_ =	shalt  }
0x5b: {  	_ =	shalt  }
0x5c: {  	_ =	shalt  }
0x5d: {  	_ =	shalt  }
0x5e: {  	_ =	shalt  }
0x5f: {  	_ =	shalt  }
0x60: {  	_ =	shalt  }
0x61: {  	_ =	shalt  }
0x62: {  	_ =	shalt  }
0x63: {  	_ =	shalt  }
0x64: {  	_ =	shalt  }
0x65: {  	_ =	shalt  }
0x66: {  	_ =	shalt  }
0x67: {  	_ =	shalt  }
0x68: {  	_ =	shalt  }
0x69: {  	_ =	shalt  }
0x6a: {  	_ =	shalt  }
0x6b: {  	_ =	shalt  }
0x6c: {  	_ =	shalt  }
0x6d: {  	_ =	shalt  }
0x6e: {  	_ =	shalt  }
0x6f: {  	_ =	shalt  }
0x70: {  	_ =	shalt  }
0x71: {  	_ =	shalt  }
0x72: {  	_ =	shalt  }
0x73: {  	_ =	shalt  }
0x74: {  	_ =	shalt  }
0x75: {  	_ =	shalt  }
0x76: {  	_ =	shalt  }
0x77: {  	_ =	shalt  }
0x78: {  	_ =	shalt  }
0x79: {  	_ =	shalt  }
0x7a: {  	_ =	shalt  }
0x7b: {  	_ =	shalt  }
0x7c: {  	_ =	shalt  }
0x7d: {  	_ =	shalt  }
0x7e: {  	_ =	shalt  }
0x7f: {  	_ =	shalt  }
0x80: {  	_ =	shalt  }
0x81: {  	_ =	shalt  }
0x82: {  	_ =	shalt  }
0x83: {  	_ =	shalt  }
0x84: {  	_ =	shalt  }
0x85: {  	_ =	shalt  }
0x86: {  	_ =	shalt  }
0x87: {  	_ =	shalt  }
.Lfunc_end0:
.L_simem_size_0:
called_computation.2_lowered:
.L_overlay_start_0:
0x88: {  	s2 =	sld [smem:$0x3FD9]  }
0x89: {  	s3 =	sld [smem:$0x3FFE];
	_ =	sdelay $0x1  }
0x8a: {  	s1 =	srdreg.scid  }
0x8b: {  	s0 =	sand.u32 $0x1, s1  }
0x8c: {  	s17 =	sshll.u32 s0, $0xA;
	s2 =	sadd.s32 s3, s2  }
0x8d: {  	s2 =	sadd.s32 s2, s17  }
0x8e: {  	[smem:$0x3FBE] =	sst s2  }
0x8f: {  	_ = 	snop  }
0x90: {  	s2 =	sld [smem:$0x3FD0];
	(tm) =	ssettm $0x1  }
0x91: {  	s18 =	sld [smem:$0x3FFB];
	_ =	sdelay $0x3  }
0x92: {  	_ =	strace s18  }
0x93: {  	s3 =	sld [smem:$0x3FFC];
	_ =	sdelay $0x3  }
0x94: {  	_ =	strace s3  }
0x95: {  	s3 =	sld [smem:$0x3FFD];
	_ =	sdelay $0x3  }
0x96: {  	_ =	strace s3  }
0x97: {  	_ =	strace $0x8FFFFFFF  }
0x98: {  	s19 =	sld [smem:$0x3FDB];
	_ =	sdelay $0x1  }
0x99: {  	s4 =	simm.s32 $_scs_section_size  }
0x9a: {  	s5 =	simm.s32 $_size__tile_overlayer_lowered;
	s6 =	simm.s32 $_tile_overlayer_lowered  }
0x9b: {  	s22 =	simm.s32 $0x1BFF;
	s21 =	sshll.u32 s6, $0x1;
	s3 =	sadd.s32 s4, s19  }
0x9c: {  	s7 =	simm.s32 $0x0;
	s20 =	sshll.u32 s5, $0x1;
	s5 =	sadd.s32 s21, s3  }
0x9d: {  	[timem:s7], [sflag:s22] =	dma.local [hbm:s5], s20  }
0x9e: {  	_ =	swait.ge [sflag:s22], s20  }
0x9f: {  	s4 =	ssub.s32 $0x0, s20;
	[sflag:s22] =	ssyncset.done $0x0  }
0xa0: {  	[sflag:s22] =	ssyncadd.s32 s4;
	_ =	sdelay $0x1  }
0xa1: {  	s23 =	simm.s32 $0x1B8B  }
0xa2: {  	_ =	swait.ge [sflag:s23], $0x1  }
0xa3: {  	[sflag:s23] =	ssyncset.done $0x0  }
0xa4: {  	s25 =	simm.s32 $0x1B8E;
	s24 =	sld [smem:$0x3FFE];
	[sflag:s23] =	ssyncadd.s32 $0xFFFFFFFF  }
0xa5: {  	s26 =	simm.s32 $execute0_lowered;
	[smem:$0x3FD2] =	sst s25  }
0xa6: {  	s5 =	sshll.u32 s26, $0x1;
	_ =	strace $0x8000004C;
	[dreg:$0x1] =	wrdreg $0xFFFFFFFF  }
0xa7: {  	s28 =	simm.s32 $_size_execute0_lowered;
	s3 =	sadd.s32 s3, s5;
	[dreg:$0x0] =	wrdreg $0x0  }
0xa8: {  	s5 =	sshll.u32 s28, $0x1;
	[dreg:$0x2] =	wrdreg s3  }
0xa9: {  	[dreg:$0x3] =	wrdreg s5  }
0xaa: {  	[dreg:$0x4] =	wrdreg $0xC0  }
0xab: {  	_ =	task [dreg:s7], $0x5FFFF  }
0xac: {  	[dreg:$0x1] =	wrdreg $0xFFFFFFFF  }
0xad: {  	[dreg:$0x0] =	wrdreg $0x60  }
0xae: {  	[dreg:$0x2] =	wrdreg s2  }
0xaf: {  	[dreg:$0x3] =	wrdreg s24  }
0xb0: {  	[dreg:$0x4] =	wrdreg $0xB0000  }
0xb1: {  	[dreg:$0x5] =	wrdreg $0x9  }
0xb2: {  	_ =	task.clear_ibuf [dreg:s7], $0x6FFFF;
	_ =	strace $0x9000004C  }
0xb3: {  	s29 =	simm.s32 $0x9;
	_ =	strace $0x8000004E  }
0xb4: {  	_ =	swait.ge [sflag:s29], $0x1  }
0xb5: {  	[sflag:s29] =	ssyncadd.s32 $0xFFFFFFFF  }
0xb6: {  	_ =	strace $0x9000004E  }
0xb7: {  	_ =	sfence  }
0xb8: {  	s30 =	sld [smem:$0x0];
	_ =	sdelay $0x2  }
0xb9: {  	s31 =	sshll.u32 s1, $0xD;
	s1 =	sshrl.u32 s1, $0x2  }
0xba: {  	s3 =	sand.u32 $0x4000, s31;
	s1 =	sadd.s32 s1, s30  }
0xbb: {  	s0 =	sor.u32 s3, s0;
	s1 =	sshll.u32 s1, $0x11  }
0xbc: {  	s0 =	sor.u32 s1, s0  }
0xbd: {  	s0 =	sadd.s32 $0x8F2B, s0  }
0xbe: {  	[sflag:s0] =	ssyncadd.remote.s32 $0x1  }
0xbf: {  	_ =	sfence.sel $0xFFFF  }
0xc0: {  	[dreg:$0x0] =	wrdreg $0xFFFFFFFF;
	(pc) =	sbr.abs _section_cstart, $3  }
0xc1: {  	[dreg:$0x1] =	wrdreg $0xFFFFFFFF  }
0xc2: {  	_ =	task.clear_ibuf [dreg:s7], $0x2FFFF;
	_ =	strace $0x9FFFFFFF  }
0xc3: {  	(tm) =	ssettm $0x7FFFFFFF  }
tec
execute0_lowered:
.L_overlay_start_1:
0x0: {  	(tag) =	ssettag $0x1  }
0x1: {  	s2 =	rddreg [dreg:$0x0]  }
0x2: {  	s0 =	rddreg [dreg:$0x1];
	s1 =	stileid.u32  }
0x3: {  	s3 =	rddreg [dreg:$0x2];
	s4 =	simm.s32 $0x0;
	s5 =	smul.u32 $0x700, s1  }
0x4: {  	s6 =	srdreg.scid;
	s28 =	simm.s32 $0x80;
	s7 =	smul.u32 $0x380, s1  }
0x5: {  	s29 =	simm.s32 $0x1;
	s30 =	simm.s32 $0x0;
	s9 =	smul.u32 $0x50000, s1  }
0x6: {  	[smem:$0x7FF] =	sst s4;
	s6 =	sand.u32 $0x1, s6;
	s19 =	smul.u32 $0x14000, s1  }
0x7: {  	_ =	strace $0x8000004D;
	s8 =	ssub.s32 $0x2, s6;
	p0 =	seq.s32 s6, $0x1  }
0x8: {  	s20 =	smul.u32 $0x140000, s6;
	s10 =	sadd.s32 s5, s0;
	s11 =	sadd.s32 s7, s0  }
0x9: {  	s24 =	sshrl.u32 s8, $0x1;
	s0 =	sadd.s32 $0x21200, s0;
	s25 =	sshrl.u32 s9, $0x2  }
0xa: {  	s16 =	sadd.s32 $0x4000, s19;
	s21 =	sadd.s32 $0x8000, s19;
	s22 =	sadd.s32 $0xC000, s19  }
0xb: {  	s23 =	sadd.s32 $0x10000, s19;
	s12 =	ssub.s32 s8, s24;
	s5 =	sadd.s32 s25, s3  }
0xc: {  	s26 =	sadd.s32 $0x13200, s10;
	s7 =	sadd.s32 $0x1A200, s10;
	s8 =	sadd.s32 $0xFA00, s11  }
0xd: {  	s9 =	sadd.s32 $0xC200, s11;
	s14 =	sadd.s32 s20, s19;
	s17 =	sadd.s32 s20, s16  }
0xe: {  	s16 =	sadd.s32 s16, s3;
	s18 =	sadd.s32 s21, s3;
	s21 =	sadd.s32 s20, s21  }
0xf: {  	s31 =	sadd.s32 s20, s22;
	s24 =	sadd.s32 s20, s23;
	s20 =	sadd.s32 s22, s3  }
0x10: {  	s22 =	sadd.s32 s23, s3;
	s25 =	simm.s32 $0x2;
	[dreg:$0x4] =	wrdreg s26  }
0x11: {  	s10 =	smax.u32 s12, $0x1;
	s11 =	sadd.s32 $0x4000, s5;
	s12 =	sadd.s32 $0x8000, s5  }
.Ltmp0:
0x12: {  	s13 =	sadd.s32 $0xC000, s5;
	s15 =	sshrl.u32 s14, $0x3;
	(pc) =	sbr.rel .LBB2_1-.Ltmp0, $4  }
0x13: {  	s14 =	sadd.s32 $0x10000, s5;
	s17 =	sshrl.u32 s17, $0x3;
	s21 =	sshrl.u32 s21, $0x3  }
0x14: {  	s24 =	sshrl.u32 s24, $0x3;
	s26 =	simm.s32 $0x3800;
	s15 =	sadd.s32 s0, s15  }
0x15: {  	s17 =	sadd.s32 s0, s17;
	s19 =	sadd.s32 s0, s21;
	s21 =	sshrl.u32 s31, $0x3  }
0x16: {  	v0 =	vimm.f32 $0.0e+00;
	s23 =	sadd.s32 s0, s24;
	s24 =	simm.s32 $0x7000;
	s21 =	sadd.s32 s0, s21  }
.LBB2_6:
0x17: {  	s0 =	sshra.s32 s31, $0x2;
	[sflag:s25] =	ssyncadd.s32 $0xFFFFC000  }
0x18: {  	[tilespmem:s24], [sflag:$0x1] =	stream.indirect.gather [hbm4b:s2+s28], $0x80, s0, s28, $0xb8;
	[tilespmem:$0x1F000] =	vst v63  }
0x19: {  	_ =	swait.ge [sflag:s29], $0x4000  }
0x1a: {  	[sflag:s29] =	ssyncset.done $0x0  }
0x1b: {  	s0 =	sadd.s32 $0x3800, s0;
	[sflag:s29] =	ssyncadd.s32 $0xFFFFC000  }
0x1c: {  	[spmem:s3] =	stream.indirect.scatter.add.f32 [tilespmem:s24], [sflag:$0x2], $0x80, s0, s28, $0xb8;
	[tilespmem:$0x1F000] =	vst v63  }
0x1d: {  	_ =	swait.ge [sflag:s25], $0x4000  }
0x1e: {  	[sflag:s25] =	ssyncset.done $0x0  }
0x1f: {  	[sflag:s25] =	ssyncadd.s32 $0xFFFFC000  }
.LBB2_10:
0x20: {  	[bflag:$0x0] =	sbarrier.arrive $0xFFFF  }
0x21: {  	[tilespmem:s24], [sflag:$0x2] =	stream.linear.gather [spmem:s5], $0x4000, $0x38;
	[tilespmem:$0x1F000] =	vst v63  }
0x22: {  	_ =	swait.ge [sflag:s25], $0x4000  }
0x23: {  	[sflag:s25] =	ssyncset.done $0x0  }
0x24: {  	[sflag:s25] =	ssyncadd.s32 $0xFFFFC000  }
0x25: {  	[hbm4b:s15+s4] =	stream.linear.scatter [tilespmem:s24], [sflag:$0x2], $0x4000, $0x38;
	[tilespmem:$0x1F000] =	vst v63  }
0x26: {  	_ =	swait.ge [sflag:s25], $0x4000  }
0x27: {  	[sflag:s25] =	ssyncset.done $0x0  }
0x28: {  	[sflag:s25] =	ssyncadd.s32 $0xFFFFC000  }
0x29: {  	[tilespmem:s24], [sflag:$0x2] =	stream.linear.gather [spmem:s16], $0x4000, $0x38;
	[tilespmem:$0x1F000] =	vst v63  }
0x2a: {  	_ =	swait.ge [sflag:s25], $0x4000  }
0x2b: {  	[sflag:s25] =	ssyncset.done $0x0  }
0x2c: {  	[sflag:s25] =	ssyncadd.s32 $0xFFFFC000  }
0x2d: {  	[hbm4b:s17+s4] =	stream.linear.scatter [tilespmem:s24], [sflag:$0x2], $0x4000, $0x38;
	[tilespmem:$0x1F000] =	vst v63  }
0x2e: {  	_ =	swait.ge [sflag:s25], $0x4000  }
0x2f: {  	[sflag:s25] =	ssyncset.done $0x0  }
0x30: {  	[sflag:s25] =	ssyncadd.s32 $0xFFFFC000  }
0x31: {  	[tilespmem:s24], [sflag:$0x2] =	stream.linear.gather [spmem:s18], $0x4000, $0x38;
	[tilespmem:$0x1F000] =	vst v63  }
0x32: {  	_ =	swait.ge [sflag:s25], $0x4000  }
0x33: {  	[sflag:s25] =	ssyncset.done $0x0  }
0x34: {  	[sflag:s25] =	ssyncadd.s32 $0xFFFFC000  }
0x35: {  	[hbm4b:s19+s4] =	stream.linear.scatter [tilespmem:s24], [sflag:$0x2], $0x4000, $0x38;
	[tilespmem:$0x1F000] =	vst v63  }
0x36: {  	_ =	swait.ge [sflag:s25], $0x4000  }
0x37: {  	[sflag:s25] =	ssyncset.done $0x0  }
0x38: {  	[sflag:s25] =	ssyncadd.s32 $0xFFFFC000  }
0x39: {  	[tilespmem:s24], [sflag:$0x2] =	stream.linear.gather [spmem:s20], $0x4000, $0x38;
	[tilespmem:$0x1F000] =	vst v63  }
0x3a: {  	_ =	swait.ge [sflag:s25], $0x4000  }
0x3b: {  	[sflag:s25] =	ssyncset.done $0x0  }
0x3c: {  	[sflag:s25] =	ssyncadd.s32 $0xFFFFC000  }
0x3d: {  	[hbm4b:s21+s4] =	stream.linear.scatter [tilespmem:s24], [sflag:$0x2], $0x4000, $0x38;
	[tilespmem:$0x1F000] =	vst v63  }
0x3e: {  	_ =	swait.ge [sflag:s25], $0x4000  }
0x3f: {  	[sflag:s25] =	ssyncset.done $0x0  }
0x40: {  	[sflag:s25] =	ssyncadd.s32 $0xFFFFC000  }
0x41: {  	[tilespmem:s24], [sflag:$0x2] =	stream.linear.gather [spmem:s22], $0x4000, $0x38;
	[tilespmem:$0x1F000] =	vst v63  }
0x42: {  	s30 =	sadd.s32 $0x1, s30;
	_ =	swait.ge [sflag:s25], $0x4000  }
0x43: {  	p1 =	sne.s32 s30, s10;
	[sflag:s25] =	ssyncset.done $0x0  }
.Ltmp1:
0x44: {  	[sflag:s25] =	ssyncadd.s32 $0xFFFFC000;
	(pc) =	sbr.rel @!p1 .LBB2_11-.Ltmp1, $4  }
0x45: {  	[hbm4b:s23+s4] =	stream.linear.scatter [tilespmem:s24], [sflag:$0x2], $0x4000, $0x38;
	[tilespmem:$0x1F000] =	vst v63  }
0x46: {  	_ =	swait.ge [sflag:s25], $0x4000  }
0x47: {  	[sflag:s25] =	ssyncset.done $0x0  }
0x48: {  	[sflag:s25] =	ssyncadd.s32 $0xFFFFC000  }
.LBB2_1:
0x49: {  	s31 =	simm.s32 $0x0;
	s0 =	simm.s32 $0x200  }
.LBB2_2:
0x4a: {  	p1 =	sne.s32 s0, $0xFE00;
	[tilespmem:s31+$0x7070] =	vst v0  }
0x4b: {  	[tilespmem:s31+$0x7000] =	vst v0  }
0x4c: {  	[tilespmem:s31+$0x7010] =	vst v0  }
.Ltmp2:
0x4d: {  	[tilespmem:s31+$0x7020] =	vst v0;
	(pc) =	sbr.rel @p1 .LBB2_2-.Ltmp2, $4  }
0x4e: {  	[tilespmem:s31+$0x7030] =	vst v0  }
0x4f: {  	[tilespmem:s31+$0x7040] =	vst v0  }
0x50: {  	[tilespmem:s31+$0x7050] =	vst v0  }
0x51: {  	[tilespmem:s31+$0x7060] =	vst v0;
	s31 =	sshra.s32 s0, $0x2;
	s0 =	sadd.s32 $0x200, s0  }
0x52: {  	[tilespmem:s31+$0x7070] =	vst v0  }
0x53: {  	[tilespmem:s31+$0x7000] =	vst v0  }
0x54: {  	[tilespmem:s31+$0x7010] =	vst v0  }
0x55: {  	[tilespmem:s31+$0x7020] =	vst v0  }
0x56: {  	[tilespmem:s31+$0x7030] =	vst v0  }
0x57: {  	[tilespmem:s31+$0x7040] =	vst v0  }
0x58: {  	[tilespmem:s31+$0x7050] =	vst v0  }
0x59: {  	[tilespmem:s31+$0x7060] =	vst v0  }
0x5a: {  	[spmem:s5] =	stream.linear.scatter [tilespmem:s24], [sflag:$0x2], $0x4000, $0x38;
	[tilespmem:$0x1F000] =	vst v63  }
0x5b: {  	_ =	swait.ge [sflag:s25], $0x4000  }
0x5c: {  	[sflag:s25] =	ssyncset.done $0x0  }
0x5d: {  	[sflag:s25] =	ssyncadd.s32 $0xFFFFC000  }
0x5e: {  	[spmem:s11] =	stream.linear.scatter [tilespmem:s24], [sflag:$0x2], $0x4000, $0x38;
	[tilespmem:$0x1F000] =	vst v63  }
0x5f: {  	_ =	swait.ge [sflag:s25], $0x4000  }
0x60: {  	[sflag:s25] =	ssyncset.done $0x0  }
0x61: {  	[sflag:s25] =	ssyncadd.s32 $0xFFFFC000  }
0x62: {  	[spmem:s12] =	stream.linear.scatter [tilespmem:s24], [sflag:$0x2], $0x4000, $0x38;
	[tilespmem:$0x1F000] =	vst v63  }
0x63: {  	_ =	swait.ge [sflag:s25], $0x4000  }
0x64: {  	[sflag:s25] =	ssyncset.done $0x0  }
0x65: {  	[sflag:s25] =	ssyncadd.s32 $0xFFFFC000  }
0x66: {  	[spmem:s13] =	stream.linear.scatter [tilespmem:s24], [sflag:$0x2], $0x4000, $0x38;
	[tilespmem:$0x1F000] =	vst v63  }
0x67: {  	_ =	swait.ge [sflag:s25], $0x4000  }
0x68: {  	[sflag:s25] =	ssyncset.done $0x0  }
0x69: {  	[sflag:s25] =	ssyncadd.s32 $0xFFFFC000  }
0x6a: {  	[spmem:s14] =	stream.linear.scatter [tilespmem:s24], [sflag:$0x2], $0x4000, $0x38;
	[tilespmem:$0x1F000] =	vst v63  }
.Ltmp3:
0x6b: {  	_ =	swait.ge [sflag:s25], $0x4000;
	(pc) =	sbr.rel @!p0 .LBB2_4-.Ltmp3, $4  }
0x6c: {  	[sflag:s25] =	ssyncset.done $0x0  }
0x6d: {  	[sflag:s25] =	ssyncadd.s32 $0xFFFFC000  }
0x6e: {  	[bflag:$0x0] =	sbarrier.arrive $0xFFFF  }
0x6f: {  	s0 =	simm.s32 $0x0  }
0x70: {  	[tilespmem:s0], [sflag:$0x2] =	stream.linear.gather [hbm4b:s8+s0], $0x1A80, $0x38;
	[tilespmem:$0x1F000] =	vst v63  }
0x71: {  	_ =	swait.ge [sflag:s25], $0x1A80  }
0x72: {  	[sflag:s25] =	ssyncset.done $0x0  }
0x73: {  	[sflag:s25] =	ssyncadd.s32 $0xFFFFE580  }
0x74: {  	[tilespmem:s26], [sflag:$0x2] =	stream.linear.gather [hbm4b:s9+s0], $0x1A80, $0x38;
	[tilespmem:$0x1F000] =	vst v63  }
0x75: {  	_ =	swait.ge [sflag:s25], $0x1A80  }
0x76: {  	[sflag:s25] =	ssyncset.done $0x0  }
0x77: {  	s1 =	simm.s32 $0x0;
	[sflag:s25] =	ssyncadd.s32 $0xFFFFE580  }
0x78: {  	[tilespmem:s24], [sflag:$0x1] =	stream.indirect.gather [hbm4b:s2+s28], $0x80, s1, s28, $0xb8;
	[tilespmem:$0x1F000] =	vst v63  }
0x79: {  	_ =	swait.ge [sflag:s29], $0x4000  }
0x7a: {  	[sflag:s29] =	ssyncset.done $0x0  }
0x7b: {  	s6 =	simm.s32 $0x3800;
	[sflag:s29] =	ssyncadd.s32 $0xFFFFC000  }
0x7c: {  	[spmem:s3] =	stream.indirect.scatter.add.f32 [tilespmem:s24], [sflag:$0x2], $0x80, s6, s28, $0xb8;
	[tilespmem:$0x1F000] =	vst v63  }
0x7d: {  	_ =	swait.ge [sflag:s25], $0x4000  }
0x7e: {  	s31 =	simm.s32 $0x200;
	s0 =	simm.s32 $0x400;
	[sflag:s25] =	ssyncset.done $0x0  }
.LBB2_8:
0x7f: {  	s1 =	sshra.s32 s31, $0x2  }
0x80: {  	[sflag:s25] =	ssyncadd.s32 $0xFFFFC000;
	s31 =	smov.u32 s0;
	s6 =	sadd.s32 $0x200, s0  }
0x81: {  	[tilespmem:s24], [sflag:$0x1] =	stream.indirect.gather [hbm4b:s2+s28], $0x80, s1, s28, $0xb8;
	[tilespmem:$0x1F000] =	vst v63  }
0x82: {  	p1 =	sne.s32 s0, $0x6800;
	_ =	swait.ge [sflag:s29], $0x4000  }
.Ltmp4:
0x83: {  	[sflag:s29] =	ssyncset.done $0x0;
	(pc) =	sbr.rel @p1 .LBB2_8-.Ltmp4, $4  }
0x84: {  	s0 =	sadd.s32 $0x3800, s1;
	[sflag:s29] =	ssyncadd.s32 $0xFFFFC000  }
0x85: {  	[spmem:s3] =	stream.indirect.scatter.add.f32 [tilespmem:s24], [sflag:$0x2], $0x80, s0, s28, $0xb8;
	[tilespmem:$0x1F000] =	vst v63  }
0x86: {  	_ =	swait.ge [sflag:s25], $0x4000  }
0x87: {  	s0 =	smov.u32 s6;
	[sflag:s25] =	ssyncset.done $0x0  }
0x88: {  	s0 =	sshra.s32 s31, $0x2;
	[sflag:s25] =	ssyncadd.s32 $0xFFFFC000  }
0x89: {  	[tilespmem:s24], [sflag:$0x1] =	stream.indirect.gather [hbm4b:s2+s28], $0x80, s0, s28, $0xb8;
	[tilespmem:$0x1F000] =	vst v63  }
0x8a: {  	_ =	swait.ge [sflag:s29], $0x4000  }
0x8b: {  	[sflag:s29] =	ssyncset.done $0x0  }
.Ltmp5:
0x8c: {  	s0 =	sadd.s32 $0x3800, s0;
	[sflag:s29] =	ssyncadd.s32 $0xFFFFC000;
	(pc) =	sbr.rel .LBB2_10-.Ltmp5, $4  }
0x8d: {  	[spmem:s3] =	stream.indirect.scatter.add.f32 [tilespmem:s24], [sflag:$0x2], $0x80, s0, s28, $0xb8;
	[tilespmem:$0x1F000] =	vst v63  }
0x8e: {  	_ =	swait.ge [sflag:s25], $0x4000  }
0x8f: {  	[sflag:s25] =	ssyncset.done $0x0  }
0x90: {  	[sflag:s25] =	ssyncadd.s32 $0xFFFFC000  }
.LBB2_4:
0x91: {  	s1 =	rddreg [dreg:$0x4]  }
0x92: {  	[tilespmem:s0], [sflag:$0x2] =	stream.linear.gather [hbm4b:s1+s0], $0x3480, $0x38;
	[tilespmem:$0x1F000] =	vst v63  }
0x93: {  	_ =	swait.ge [sflag:s25], $0x3480  }
0x94: {  	[sflag:s25] =	ssyncset.done $0x0  }
0x95: {  	[sflag:s25] =	ssyncadd.s32 $0xFFFFCB80  }
0x96: {  	[tilespmem:s26], [sflag:$0x2] =	stream.linear.gather [hbm4b:s7+s0], $0x3480, $0x38;
	[tilespmem:$0x1F000] =	vst v63  }
0x97: {  	_ =	swait.ge [sflag:s25], $0x3480  }
0x98: {  	[sflag:s25] =	ssyncset.done $0x0  }
0x99: {  	s1 =	simm.s32 $0x0;
	[sflag:s25] =	ssyncadd.s32 $0xFFFFCB80  }
0x9a: {  	[tilespmem:s24], [sflag:$0x1] =	stream.indirect.gather [hbm4b:s2+s28], $0x80, s1, s28, $0xb8;
	[tilespmem:$0x1F000] =	vst v63  }
0x9b: {  	_ =	swait.ge [sflag:s29], $0x4000  }
0x9c: {  	[sflag:s29] =	ssyncset.done $0x0  }
0x9d: {  	s6 =	simm.s32 $0x3800;
	[sflag:s29] =	ssyncadd.s32 $0xFFFFC000  }
0x9e: {  	[spmem:s3] =	stream.indirect.scatter.add.f32 [tilespmem:s24], [sflag:$0x2], $0x80, s6, s28, $0xb8;
	[tilespmem:$0x1F000] =	vst v63  }
0x9f: {  	_ =	swait.ge [sflag:s25], $0x4000  }
0xa0: {  	s31 =	simm.s32 $0x200;
	s0 =	simm.s32 $0x400;
	[sflag:s25] =	ssyncset.done $0x0  }
.LBB2_5:
0xa1: {  	s1 =	sshra.s32 s31, $0x2  }
0xa2: {  	[sflag:s25] =	ssyncadd.s32 $0xFFFFC000;
	s31 =	smov.u32 s0;
	s6 =	sadd.s32 $0x200, s0  }
0xa3: {  	[tilespmem:s24], [sflag:$0x1] =	stream.indirect.gather [hbm4b:s2+s28], $0x80, s1, s28, $0xb8;
	[tilespmem:$0x1F000] =	vst v63  }
0xa4: {  	p1 =	seq.s32 s0, $0xD000;
	_ =	swait.ge [sflag:s29], $0x4000  }
.Ltmp6:
0xa5: {  	[sflag:s29] =	ssyncset.done $0x0;
	(pc) =	sbr.rel @!p1 .LBB2_5-.Ltmp6, $4  }
0xa6: {  	s0 =	sadd.s32 $0x3800, s1;
	[sflag:s29] =	ssyncadd.s32 $0xFFFFC000  }
0xa7: {  	[spmem:s3] =	stream.indirect.scatter.add.f32 [tilespmem:s24], [sflag:$0x2], $0x80, s0, s28, $0xb8;
	[tilespmem:$0x1F000] =	vst v63  }
0xa8: {  	_ =	swait.ge [sflag:s25], $0x4000  }
0xa9: {  	s0 =	smov.u32 s6;
	[sflag:s25] =	ssyncset.done $0x0  }
.Ltmp7:
0xaa: {  	_ = 	snop;
	(pc) =	sbr.rel .LBB2_6-.Ltmp7, $1  }
0xab: {  	_ =	sdelay $0x3  }
.LBB2_11:
0xac: {  	_ =	sfence.sel $0x180000  }
0xad: {  	[bflag:$0x0] =	sbarrier.arrive $0xFFFF  }
0xae: {  	_ =	strace $0x9000004D  }
0xaf: {  	s0 =	stileid.u32;
	[bflag:$0x2] =	sbarrier.arrive $0xFFFF  }
0xb0: {  	p0 =	sne.s32 s0, $0x0;
	s0 =	rddreg [dreg:$0x3]  }
0xb1: {  	s0 =	sadd.s32 @!p0 $0x100000, s0  }
0xb2: {  	[sflag:s0] =	ssyncadd.tile.s32 @!p0 $0x1;
	_ =	shalt  }
.Lfunc_end2:
_tile_overlayer_lowered:
.L_overlay_start_2:
0xb3: {  	(tag) =	ssettag $0x2  }
0xb4: {  	s0 =	rddreg [dreg:$0x0];
	s2 =	stileid.u32  }
0xb5: {  	s1 =	rddreg [dreg:$0x1];
	p0 =	sne.s32 s2, $0x0  }
0xb6: {  	s3 =	rddreg [dreg:$0x2];
	[bflag:$0x3] =	sbarrier.arrive $0xFFFF;
	s2 =	simm.s32 @!p0 $0x1C02  }
0xb7: {  	[timem:s3], [sflag:s2] =	dma.local @!p0 [hbm:s0], s1  }
0xb8: {  	s0 =	simm.s32 @!p0 $0x2  }
0xb9: {  	_ =	swait.ge @!p0 [sflag:s0], s1  }
0xba: {  	s1 =	ssub.s32 @!p0 $0x0, s1;
	[sflag:s0] =	ssyncset.done @!p0 $0x0  }
0xbb: {  	[sflag:s0] =	ssyncadd.s32 @!p0 s1  }
0xbc: {  	[bflag:$0x3] =	sbarrier.arrive $0xFFFF  }
0xbd: {  	_ =	shalt  }

// kernel: kernel.8.cloned.1.call-start
scs
__scs_entry_jumppad:
0x0: {  	(pc) =	sbr.rel $0x88, $3  }
0x1: {  	(tag) =	ssettag $0x0;
	lr =	simm.s32 $0x1  }
0x2: {  	[smem:$0x3F97] =	sst lr;
	_ =	strace $0xD0000000  }
0x3: {  	_ = 	snop  }
0x4: {  	_ = 	snop  }
0x5: {  	_ = 	snop  }
0x6: {  	_ = 	snop  }
0x7: {  	_ = 	snop  }
__scs_overlays_trampoline_lowered:
0x8: {  	[smem:$0x3FA6] =	sst s0  }
0x9: {  	[smem:$0x3FA7] =	sst s1  }
0xa: {  	[smem:$0x3FA8] =	sst s2  }
0xb: {  	[smem:$0x3FA9] =	sst s3  }
0xc: {  	[smem:$0x3FAA] =	sst s4  }
0xd: {  	[smem:$0x3FAB] =	sst s5  }
0xe: {  	[smem:$0x3FAC] =	sst s6  }
0xf: {  	[smem:$0x3FAD] =	sst s7  }
0x10: {  	[smem:$0x3FAE] =	sst s8  }
0x11: {  	[smem:$0x3FAF] =	sst s9;
	s0 =	simm.s32 @!p0 $0x0  }
0x12: {  	s1 =	sld [smem:$0x3F95];
	s0 =	simm.s32 @p0 $0x1  }
0x13: {  	[smem:$0x3FB0] =	sst s0;
	s0 =	simm.s32 @!p1 $0x0  }
0x14: {  	s2 =	sld [smem:$0x3F94];
	s0 =	simm.s32 @p1 $0x1  }
0x15: {  	[smem:$0x3FB1] =	sst s0;
	s0 =	simm.s32 @!p2 $0x0  }
0x16: {  	s3 =	sld [smem:$0x3FDB];
	s0 =	simm.s32 @p2 $0x1  }
0x17: {  	s4 =	simm.s32 $0x1BF5;
	[smem:$0x3FB3] =	sst s0  }
0x18: {  	s0 =	sld [smem:$0x3F96];
	_ =	swait.ge [sflag:s4], $0x0  }
0x19: {  	s7 =	sld [smem:$0x3F97]  }
0x1a: {  	s8 =	sadd.s32 $0xFFFFE003, lr  }
0x1b: {  	s9 =	sadd.s32 $0xFFFFFEF7, lr;
	s5 =	simm.s32 $0xFFFFFFFF;
	p2 =	slt.u32 s8, $0xFFFFF086  }
0x1c: {  	p1 =	slt.u32 s9, $0xF7A;
	s5 =	simm.s32 @!p2 $0x0  }
0x1d: {  	s5 =	simm.s32 @p1 $0x1;
	p0 =	seq.s32 s7, s2  }
0x1e: {  	s7 =	smul.u32 @!p0 $0xF7A, s2;
	p2 =	seq.s32 @!p0 s5, $0x0  }
0x1f: {  	s9 =	smul.u32 $0xF7A, s1;
	s8 =	simm.s32 @!p0 $0x1BF5;
	p2 =	por !p2, p0  }
0x20: {  	[sflag:s8] =	ssyncset.s32 @!p0 $0xFFFFF086;
	s6 =	sadd.s32 @!p0 s3, s7;
	s7 =	simm.s32 @!p0 $0x108  }
0x21: {  	s3 =	sadd.s32 s3, s9;
	s6 =	sadd.s32 @!p0 $0x88, s6;
	s7 =	simm.s32 @p2 $0x1082  }
0x22: {  	[simem:s7], [sflag:s8] =	dma.local @!p0 [hbm:s6], $0xF7A  }
0x23: {  	s9 =	sor.u32 $0xD0000000, s2;
	s6 =	simm.s32 $0x108;
	_ =	swait.ge @!p0 [sflag:s8], $0x0  }
0x24: {  	s3 =	sadd.s32 $0x88, s3;
	s6 =	simm.s32 @!p1 $0x1082;
	[sflag:s4] =	ssyncset.s32 $0xFFFFF086  }
0x25: {  	[simem:s6], [sflag:s4] =	dma.local [hbm:s3], $0xF7A  }
0x26: {  	[smem:$0x3F97] =	sst s1;
	(tag) =	ssettag s2;
	_ =	strace s9  }
0x27: {  	s1 =	sld [smem:$0x3FA7]  }
0x28: {  	s2 =	sld [smem:$0x3FA8]  }
0x29: {  	s4 =	sld [smem:$0x3FAA]  }
0x2a: {  	p0 =	seq.s32 s5, $0x0;
	s5 =	sld [smem:$0x3FAB]  }
0x2b: {  	s6 =	sld [smem:$0x3FAC]  }
0x2c: {  	s7 =	sld [smem:$0x3FAD]  }
0x2d: {  	s3 =	simm.s32 $0x108;
	s8 =	sld [smem:$0x3FAE]  }
0x2e: {  	s3 =	simm.s32 @!p0 $0x1082;
	s9 =	sld [smem:$0x3FAF]  }
0x2f: {  	lr =	sadd.s32 s0, s3;
	s0 =	sld [smem:$0x3FA6]  }
0x30: {  	s3 =	sld [smem:$0x3FA9]  }
0x31: {  	[smem:$0x3FB2] =	sst s10  }
0x32: {  	s10 =	sld [smem:$0x3FB0];
	_ =	sdelay $0x3  }
0x33: {  	p0 =	seq.s32 s10, $0x1;
	s10 =	sld [smem:$0x3FB2];
	_ =	sdelay $0x3  }
0x34: {  	[smem:$0x3FB2] =	sst s10  }
0x35: {  	s10 =	sld [smem:$0x3FB1];
	_ =	sdelay $0x3  }
0x36: {  	p1 =	seq.s32 s10, $0x1;
	s10 =	sld [smem:$0x3FB2];
	_ =	sdelay $0x3  }
0x37: {  	[smem:$0x3FB2] =	sst s10  }
0x38: {  	s10 =	sld [smem:$0x3FB3]  }
0x39: {  	_ = 	snop;
	(pc) =	sbr.ind lr, $3  }
0x3a: {  	_ = 	snop  }
0x3b: {  	_ = 	snop  }
0x3c: {  	p2 =	seq.s32 s10, $0x1;
	s10 =	sld [smem:$0x3FB2]  }
0x3d: {  	_ =	shalt  }
0x3e: {  	_ =	shalt  }
0x3f: {  	_ =	shalt  }
0x40: {  	_ =	shalt  }
0x41: {  	_ =	shalt  }
0x42: {  	_ =	shalt  }
0x43: {  	_ =	shalt  }
0x44: {  	_ =	shalt  }
0x45: {  	_ =	shalt  }
0x46: {  	_ =	shalt  }
0x47: {  	_ =	shalt  }
0x48: {  	_ =	shalt  }
0x49: {  	_ =	shalt  }
0x4a: {  	_ =	shalt  }
0x4b: {  	_ =	shalt  }
0x4c: {  	_ =	shalt  }
0x4d: {  	_ =	shalt  }
0x4e: {  	_ =	shalt  }
0x4f: {  	_ =	shalt  }
0x50: {  	_ =	shalt  }
0x51: {  	_ =	shalt  }
0x52: {  	_ =	shalt  }
0x53: {  	_ =	shalt  }
0x54: {  	_ =	shalt  }
0x55: {  	_ =	shalt  }
0x56: {  	_ =	shalt  }
0x57: {  	_ =	shalt  }
0x58: {  	_ =	shalt  }
0x59: {  	_ =	shalt  }
0x5a: {  	_ =	shalt  }
0x5b: {  	_ =	shalt  }
0x5c: {  	_ =	shalt  }
0x5d: {  	_ =	shalt  }
0x5e: {  	_ =	shalt  }
0x5f: {  	_ =	shalt  }
0x60: {  	_ =	shalt  }
0x61: {  	_ =	shalt  }
0x62: {  	_ =	shalt  }
0x63: {  	_ =	shalt  }
0x64: {  	_ =	shalt  }
0x65: {  	_ =	shalt  }
0x66: {  	_ =	shalt  }
0x67: {  	_ =	shalt  }
0x68: {  	_ =	shalt  }
0x69: {  	_ =	shalt  }
0x6a: {  	_ =	shalt  }
0x6b: {  	_ =	shalt  }
0x6c: {  	_ =	shalt  }
0x6d: {  	_ =	shalt  }
0x6e: {  	_ =	shalt  }
0x6f: {  	_ =	shalt  }
0x70: {  	_ =	shalt  }
0x71: {  	_ =	shalt  }
0x72: {  	_ =	shalt  }
0x73: {  	_ =	shalt  }
0x74: {  	_ =	shalt  }
0x75: {  	_ =	shalt  }
0x76: {  	_ =	shalt  }
0x77: {  	_ =	shalt  }
0x78: {  	_ =	shalt  }
0x79: {  	_ =	shalt  }
0x7a: {  	_ =	shalt  }
0x7b: {  	_ =	shalt  }
0x7c: {  	_ =	shalt  }
0x7d: {  	_ =	shalt  }
0x7e: {  	_ =	shalt  }
0x7f: {  	_ =	shalt  }
0x80: {  	_ =	shalt  }
0x81: {  	_ =	shalt  }
0x82: {  	_ =	shalt  }
0x83: {  	_ =	shalt  }
0x84: {  	_ =	shalt  }
0x85: {  	_ =	shalt  }
0x86: {  	_ =	shalt  }
0x87: {  	_ =	shalt  }
.Lfunc_end0:
.L_simem_size_0:
called_computation_lowered:
.L_overlay_start_0:
0x88: {  	s2 =	sld [smem:$0x3FD9]  }
0x89: {  	s3 =	sld [smem:$0x3FFE];
	_ =	sdelay $0x1  }
0x8a: {  	s1 =	srdreg.scid  }
0x8b: {  	s0 =	sand.u32 $0x1, s1  }
0x8c: {  	s17 =	sshll.u32 s0, $0xA;
	s2 =	sadd.s32 s3, s2  }
0x8d: {  	s2 =	sadd.s32 s2, s17  }
0x8e: {  	[smem:$0x3FBE] =	sst s2  }
0x8f: {  	_ = 	snop  }
0x90: {  	s2 =	sld [smem:$0x3FD0];
	(tm) =	ssettm $0x1  }
0x91: {  	s18 =	sld [smem:$0x3FFB];
	_ =	sdelay $0x3  }
0x92: {  	_ =	strace s18  }
0x93: {  	s3 =	sld [smem:$0x3FFC];
	_ =	sdelay $0x3  }
0x94: {  	_ =	strace s3  }
0x95: {  	s3 =	sld [smem:$0x3FFD];
	_ =	sdelay $0x3  }
0x96: {  	_ =	strace s3  }
0x97: {  	_ =	strace $0x8FFFFFFF  }
0x98: {  	s19 =	sld [smem:$0x3FDB];
	_ =	sdelay $0x1  }
0x99: {  	s4 =	simm.s32 $_scs_section_size  }
0x9a: {  	s5 =	simm.s32 $_size__tile_overlayer_lowered;
	s6 =	simm.s32 $_tile_overlayer_lowered  }
0x9b: {  	s22 =	simm.s32 $0x1BFF;
	s21 =	sshll.u32 s6, $0x1;
	s3 =	sadd.s32 s4, s19  }
0x9c: {  	s7 =	simm.s32 $0x0;
	s20 =	sshll.u32 s5, $0x1;
	s5 =	sadd.s32 s21, s3  }
0x9d: {  	[timem:s7], [sflag:s22] =	dma.local [hbm:s5], s20  }
0x9e: {  	_ =	swait.ge [sflag:s22], s20  }
0x9f: {  	s4 =	ssub.s32 $0x0, s20;
	[sflag:s22] =	ssyncset.done $0x0  }
0xa0: {  	[sflag:s22] =	ssyncadd.s32 s4;
	_ =	sdelay $0x1  }
0xa1: {  	s23 =	simm.s32 $0x1B8B  }
0xa2: {  	_ =	swait.ge [sflag:s23], $0x1  }
0xa3: {  	[sflag:s23] =	ssyncset.done $0x0  }
0xa4: {  	s25 =	simm.s32 $0x1B8E;
	s24 =	sld [smem:$0x3FFE];
	[sflag:s23] =	ssyncadd.s32 $0xFFFFFFFF  }
0xa5: {  	s26 =	simm.s32 $execute0_lowered;
	[smem:$0x3FD2] =	sst s25  }
0xa6: {  	s5 =	sshll.u32 s26, $0x1;
	_ =	strace $0x80000046;
	[dreg:$0x1] =	wrdreg $0xFFFFFFFF  }
0xa7: {  	s28 =	simm.s32 $_size_execute0_lowered;
	s3 =	sadd.s32 s3, s5;
	[dreg:$0x0] =	wrdreg $0x0  }
0xa8: {  	s5 =	sshll.u32 s28, $0x1;
	[dreg:$0x2] =	wrdreg s3  }
0xa9: {  	[dreg:$0x3] =	wrdreg s5  }
0xaa: {  	[dreg:$0x4] =	wrdreg $0xC0  }
0xab: {  	_ =	task [dreg:s7], $0x5FFFF  }
0xac: {  	[dreg:$0x1] =	wrdreg $0xFFFFFFFF  }
0xad: {  	[dreg:$0x0] =	wrdreg $0x60  }
0xae: {  	[dreg:$0x2] =	wrdreg s2  }
0xaf: {  	[dreg:$0x3] =	wrdreg s24  }
0xb0: {  	[dreg:$0x4] =	wrdreg $0x9  }
0xb1: {  	_ =	task.clear_ibuf [dreg:s7], $0x5FFFF;
	_ =	strace $0x90000046  }
0xb2: {  	s29 =	simm.s32 $0x9;
	_ =	strace $0x80000048  }
0xb3: {  	_ =	swait.ge [sflag:s29], $0x1  }
0xb4: {  	[sflag:s29] =	ssyncadd.s32 $0xFFFFFFFF  }
0xb5: {  	_ =	strace $0x90000048  }
0xb6: {  	_ =	sfence  }
0xb7: {  	s30 =	sld [smem:$0x0];
	_ =	sdelay $0x2  }
0xb8: {  	s31 =	sshll.u32 s1, $0xD;
	s1 =	sshrl.u32 s1, $0x2  }
0xb9: {  	s3 =	sand.u32 $0x4000, s31;
	s1 =	sadd.s32 s1, s30  }
0xba: {  	s0 =	sor.u32 s3, s0;
	s1 =	sshll.u32 s1, $0x11  }
0xbb: {  	s0 =	sor.u32 s1, s0  }
0xbc: {  	s0 =	sadd.s32 $0x8F2B, s0  }
0xbd: {  	[sflag:s0] =	ssyncadd.remote.s32 $0x1  }
0xbe: {  	_ =	sfence.sel $0xFFFF  }
0xbf: {  	[dreg:$0x0] =	wrdreg $0xFFFFFFFF;
	(pc) =	sbr.abs _section_cstart, $3  }
0xc0: {  	[dreg:$0x1] =	wrdreg $0xFFFFFFFF  }
0xc1: {  	_ =	task.clear_ibuf [dreg:s7], $0x2FFFF;
	_ =	strace $0x9FFFFFFF  }
0xc2: {  	(tm) =	ssettm $0x7FFFFFFF  }
0xc3: {  	_ =	shalt  }
tec
execute0_lowered:
.L_overlay_start_1:
0x0: {  	(tag) =	ssettag $0x1  }
0x1: {  	s0 =	srdreg.scid;
	s3 =	rddreg [dreg:$0x0]  }
0x2: {  	s5 =	rddreg [dreg:$0x1];
	s4 =	sand.u32 $0x1, s0  }
0x3: {  	s1 =	stileid.u32;
	s8 =	simm.s32 $0x0;
	s2 =	sshll.u32 s4, $0x4  }
0x4: {  	s4 =	ssub.s32 $0x2, s4;
	s6 =	sor.u32 s1, s2;
	s2 =	simm.s32 $0x0  }
0x5: {  	s7 =	sshrl.u32 s4, $0x1;
	s6 =	smul.u32 $0x500, s6;
	[smem:$0x7FF] =	sst s2  }
0x6: {  	s0 =	rddreg [dreg:$0x2];
	s7 =	ssub.s32 s4, s7;
	_ =	strace $0x80000047  }
0x7: {  	s5 =	sadd.s32 s6, s5;
	s3 =	sadd.s32 s3, s6;
	s6 =	simm.s32 $0x1  }
0x8: {  	v0 =	vimm.f32 $0.0e+00;
	v1 =	vimm.f32 $1.000000000e+00;
	s4 =	sadd.s32 $0x2200, s5;
	s5 =	smax.u32 s7, $0x1;
	s7 =	simm.s32 $0x2800  }
.LBB2_1:
0x9: {  	[tilespmem:s2], [sflag:$0x1] =	stream.linear.gather [hbm4b:s3+s2], $0x2780, $0x38;
	[tilespmem:$0x5000] =	vst v63  }
0xa: {  	_ =	swait.ge [sflag:s6], $0x2780  }
0xb: {  	[sflag:s6] =	ssyncset.done $0x0  }
0xc: {  	s10 =	simm.s32 $0x2840;
	[sflag:s6] =	ssyncadd.s32 $0xFFFFD880  }
0xd: {  	[tilespmem:s10+$0xFFFFFFC0] =	vst v0  }
0xe: {  	[tilespmem:s10+$0x30] =	vst v0  }
0xf: {  	[tilespmem:s10+$0x20] =	vst v0  }
0x10: {  	[tilespmem:s10+$0x10] =	vst v0  }
0x11: {  	[tilespmem:s10+$0x0] =	vst v0  }
0x12: {  	[tilespmem:s10+$0xFFFFFFF0] =	vst v0  }
0x13: {  	s11 =	simm.s32 $0x0;
	[tilespmem:s10+$0xFFFFFFE0] =	vst v0  }
.LBB2_2:
0x14: {  	s11 =	sadd.s32 $0x8, s11;
	[tilespmem:s10+$0xFFFFFFD0] =	vst v0;
	s10 =	sadd.s32 $0x80, s10;
	s9 =	simm.s32 $0x1C0  }
0x15: {  	[tilespmem:s10+$0xFFFFFFC0] =	vst v0;
	p0 =	slt.u32 s11, $0x278  }
0x16: {  	[tilespmem:s10+$0x30] =	vst v0  }
.Ltmp0:
0x17: {  	[tilespmem:s10+$0x20] =	vst v0;
	(pc) =	sbr.rel @p0 .LBB2_2-.Ltmp0, $4  }
0x18: {  	[tilespmem:s10+$0x10] =	vst v0  }
0x19: {  	[tilespmem:s10+$0x0] =	vst v0  }
0x1a: {  	[tilespmem:s10+$0xFFFFFFF0] =	vst v0  }
0x1b: {  	[tilespmem:s10+$0xFFFFFFE0] =	vst v0  }
0x1c: {  	[tilespmem:s10+$0xFFFFFFD0] =	vst v0  }
.LBB2_4:
0x1d: {  	s10 =	sshra.s32 s9, $0x2  }
0x1e: {  	v2 =	vld [tilespmem:s10+$0xFFFFFF90];
	_ =	sdelay $0x7  }
0x1f: {  	[tilespmem:v2+s7+$0x0] =	vst.idx.add.f32.msk $0xffff, v1  }
0x20: {  	v2 =	vld [tilespmem:s10+$0xFFFFFFA0];
	_ =	sdelay $0x7  }
0x21: {  	[tilespmem:v2+s7+$0x0] =	vst.idx.add.f32.msk $0xffff, v1  }
0x22: {  	v2 =	vld [tilespmem:s10+$0xFFFFFFB0];
	_ =	sdelay $0x7  }
0x23: {  	[tilespmem:v2+s7+$0x0] =	vst.idx.add.f32.msk $0xffff, v1  }
0x24: {  	v2 =	vld [tilespmem:s10+$0xFFFFFFC0];
	_ =	sdelay $0x7  }
0x25: {  	[tilespmem:v2+s7+$0x0] =	vst.idx.add.f32.msk $0xffff, v1  }
0x26: {  	v2 =	vld [tilespmem:s10+$0xFFFFFFD0];
	_ =	sdelay $0x7  }
0x27: {  	[tilespmem:v2+s7+$0x0] =	vst.idx.add.f32.msk $0xffff, v1  }
0x28: {  	v2 =	vld [tilespmem:s10+$0xFFFFFFE0];
	_ =	sdelay $0x7  }
0x29: {  	[tilespmem:v2+s7+$0x0] =	vst.idx.add.f32.msk $0xffff, v1  }
0x2a: {  	v2 =	vld [tilespmem:s10+$0xFFFFFFF0];
	_ =	sdelay $0x7  }
0x2b: {  	[tilespmem:v2+s7+$0x0] =	vst.idx.add.f32.msk $0xffff, v1  }
0x2c: {  	v2 =	vld [tilespmem:s10+$0x0];
	_ =	sdelay $0x2  }
0x2d: {  	p0 =	sne.s32 s9, $0x9DC0  }
.Ltmp1:
0x2e: {  	_ = 	snop;
	(pc) =	sbr.rel @p0 .LBB2_4-.Ltmp1, $2  }
0x2f: {  	_ =	sdelay $0x2  }
0x30: {  	s9 =	sadd.s32 $0x200, s9;
	[tilespmem:v2+s7+$0x0] =	vst.idx.add.f32.msk $0xffff, v1  }
0x31: {  	s8 =	sadd.s32 $0x1, s8  }
0x32: {  	p0 =	sne.s32 s8, s5  }
.Ltmp2:
0x33: {  	_ = 	snop;
	(pc) =	sbr.rel @p0 .LBB2_1-.Ltmp2, $4  }
0x34: {  	[hbm4b:s4+s2] =	stream.linear.scatter [tilespmem:s7], [sflag:$0x1], $0x2800, $0x38;
	[tilespmem:$0x5000] =	vst v63  }
0x35: {  	_ =	swait.ge [sflag:s6], $0x2800  }
0x36: {  	[sflag:s6] =	ssyncset.done $0x0  }
0x37: {  	[sflag:s6] =	ssyncadd.s32 $0xFFFFD800  }
0x38: {  	_ =	sfence.sel $0x180000  }
0x39: {  	[bflag:$0x0] =	sbarrier.arrive $0xFFFF  }
0x3a: {  	p0 =	sne.s32 s1, $0x0;
	_ =	strace $0x90000047  }
0x3b: {  	s0 =	sadd.s32 @!p0 $0x100000, s0;
	[bflag:$0x2] =	sbarrier.arrive $0xFFFF  }
0x3c: {  	[sflag:s0] =	ssyncadd.tile.s32 @!p0 $0x1;
	_ =	shalt  }
.Lfunc_end2:
_tile_overlayer_lowered:
.L_overlay_start_2:
0x3d: {  	(tag) =	ssettag $0x2  }
0x3e: {  	s0 =	rddreg [dreg:$0x0];
	s2 =	stileid.u32  }
0x3f: {  	s1 =	rddreg [dreg:$0x1];
	p0 =	sne.s32 s2, $0x0  }
0x40: {  	s3 =	rddreg [dreg:$0x2];
	[bflag:$0x3] =	sbarrier.arrive $0xFFFF;
	s2 =	simm.s32 @!p0 $0x1C01  }
0x41: {  	[timem:s3], [sflag:s2] =	dma.local @!p0 [hbm:s0], s1  }
0x42: {  	s0 =	simm.s32 @!p0 $0x1  }
0x43: {  	_ =	swait.ge @!p0 [sflag:s0], s1  }
0x44: {  	s1 =	ssub.s32 @!p0 $0x0, s1;
	[sflag:s0] =	ssyncset.done @!p0 $0x0  }
0x45: {  	[sflag:s0] =	ssyncadd.s32 @!p0 s1  }
0x46: {  	[bflag:$0x3] =	sbarrier.arrive $0xFFFF  }
0x47: {  	_ =	shalt  }

</sc_bundles>
